<compile_context>
chip_gen: v7x
topology: tpu7x:2x2x1
jax: 0.10.2.dev20260603
libtpu: 0.0.44.dev20260713+nightly
codegen_flags: <defaults>
</compile_context>

<pallas_src>
import jax
import jax.numpy as jnp
from jax import lax
from jax.experimental import pallas as pl
from jax.experimental.pallas import tpu as pltpu, tpu_sc as plsc

B = 4
S = 2048
D2 = 1024
D = 2 * D2
N = B * S
NC, NS, L = 2, 16, 16
NW = NC * NS
WPB = NW // B
ROWS_PER_W = S // WPB
R = 8
NCHUNK = ROWS_PER_W // R
NX = 4
NP = 2


def _sc_body(x_hbm, par_hbm, pe_hbm, out_hbm,
             pidx, xb0, xb1, xb2, xb3, gb0, gb1, gb2, gb3, pb0, pb1,
             sl0, sl1, sl2, sl3, sp0, sp1, so0, so1, so2, so3):
    wid = lax.axis_index("s") * NC + lax.axis_index("c")
    bidx = wid // WPB
    s0 = (wid % WPB) * ROWS_PER_W

    xbuf = (xb0, xb1, xb2, xb3)
    gbuf = (gb0, gb1, gb2, gb3)
    pbuf = (pb0, pb1)
    sl = (sl0, sl1, sl2, sl3)
    sp = (sp0, sp1)
    so = (so0, so1, so2, so3)

    pltpu.sync_copy(par_hbm.at[bidx, pl.ds(s0, ROWS_PER_W)], pidx)

    def loadxg(c, u):
        rows = pl.ds(s0 + c * R, R)
        pltpu.make_async_copy(x_hbm.at[bidx, rows], xbuf[u], sl[u]).start()
        pltpu.make_async_copy(pe_hbm.at[pidx.at[pl.ds(c * R, R)]], gbuf[u], sl[u]).start()

    def loadp(c, v):
        pltpu.make_async_copy(pe_hbm.at[pl.ds(s0 + c * R, R)], pbuf[v], sp[v]).start()

    def process(c, u, v):
        rows = pl.ds(s0 + c * R, R)
        pltpu.make_async_copy(x_hbm.at[bidx, rows], xbuf[u], sl[u]).wait()
        pltpu.make_async_copy(pe_hbm.at[pidx.at[pl.ds(c * R, R)]], gbuf[u], sl[u]).wait()
        pltpu.make_async_copy(pe_hbm.at[pl.ds(s0 + c * R, R)], pbuf[v], sp[v]).wait()

        def row(i, carry):
            @plsc.parallel_loop(0, D2 // L, step=1, unroll=4)
            def col(j):
                cols = pl.ds(j * L, L)
                hi = pl.ds(D2 + j * L, L)
                plsc.addupdate(xbuf[u].at[i, cols], pbuf[v][i, cols])
                plsc.addupdate(xbuf[u].at[i, hi], gbuf[u][i, cols])
            return carry

        lax.fori_loop(0, R, row, 0, unroll=False)
        pltpu.make_async_copy(xbuf[u], out_hbm.at[bidx, rows], so[u]).start()

    def store_wait(c, u):
        rows = pl.ds(s0 + c * R, R)
        pltpu.make_async_copy(xbuf[u], out_hbm.at[bidx, rows], so[u]).wait()

    loadxg(0, 0)
    loadxg(1, 1)
    loadp(0, 0)
    loadxg(2, 2)
    loadp(1, 1)
    process(0, 0, 0)
    loadxg(3, 3)
    loadp(2, 0)
    process(1, 1, 1)

    def group(g, carry):
        for u in (0, 1, 2, 3):
            t = 4 * g + u
            store_wait(t - NX, u)
            loadxg(t, u)
            loadp(t - 1, (u - 1) % NP)
            process(t - 2, (u - 2) % NX, (u - 2) % NP)
        return carry

    lax.fori_loop(1, NCHUNK // NX, group, 0, unroll=False)

    loadp(NCHUNK - 1, (NCHUNK - 1) % NP)
    process(NCHUNK - 2, (NCHUNK - 2) % NX, (NCHUNK - 2) % NP)
    process(NCHUNK - 1, (NCHUNK - 1) % NX, (NCHUNK - 1) % NP)
    for c in range(NCHUNK - 4, NCHUNK):
        store_wait(c, c % NX)


@jax.jit
def _sc_call(x, par, pe0):
    mesh = plsc.VectorSubcoreMesh(core_axis_name="c", subcore_axis_name="s")
    f = pl.kernel(
        _sc_body,
        out_type=jax.ShapeDtypeStruct((B, S, D), jnp.float32),
        mesh=mesh,
        scratch_types=[
            pltpu.VMEM((ROWS_PER_W,), jnp.int32),
            pltpu.VMEM((R, D), jnp.float32),
            pltpu.VMEM((R, D), jnp.float32),
            pltpu.VMEM((R, D), jnp.float32),
            pltpu.VMEM((R, D), jnp.float32),
            pltpu.VMEM((R, D2), jnp.float32),
            pltpu.VMEM((R, D2), jnp.float32),
            pltpu.VMEM((R, D2), jnp.float32),
            pltpu.VMEM((R, D2), jnp.float32),
            pltpu.VMEM((R, D2), jnp.float32),
            pltpu.VMEM((R, D2), jnp.float32),
            pltpu.SemaphoreType.DMA,
            pltpu.SemaphoreType.DMA,
            pltpu.SemaphoreType.DMA,
            pltpu.SemaphoreType.DMA,
            pltpu.SemaphoreType.DMA,
            pltpu.SemaphoreType.DMA,
            pltpu.SemaphoreType.DMA,
            pltpu.SemaphoreType.DMA,
            pltpu.SemaphoreType.DMA,
            pltpu.SemaphoreType.DMA,
        ],
    )
    return f(x, par, pe0)


def kernel(x, parents, pe):
    par = parents.astype(jnp.int32)
    pe0 = pe[0]
    return _sc_call(x, par, pe0)

# --- scband reference (transcript-rebuilt; emitter-appended) ---
"""Pipeline reference for scband-concat-learned-tree-positional-encoding-50757923504348 (READ-ONLY COPY).

The authoritative reference and input builder live on the scoring server;
editing this copy changes nothing except your own understanding.
"""

import jax, jax.numpy as jnp
import numpy as np

D_MODEL = 2048
MAX_LEN = 4096
MULT = 1.0

def setup_inputs(seed: int = 0) -> dict:
    key = jax.random.key(seed)
    k1, k2, k3 = jax.random.split(key, 3)
    x = jax.random.normal(k1, (4, 2048, D_MODEL), dtype=jnp.float32)
    parents = jax.random.randint(k2, (4, 2048), 0, 2048, dtype=jnp.int64)
    # learned positional table: shape (1, max_len, d_model // 2), init randn / mult
    pe = jax.random.normal(k3, (1, MAX_LEN, D_MODEL // 2), dtype=jnp.float32) / MULT
    return {"x": x, "parents": parents, "pe": pe}

def reference(x, parents, pe):
    # TreePositionalEncoding.forward with concat=True, eval mode (dropout = identity)
    B, S, _ = x.shape
    # self.pe.get(S).expand(B, -1, -1): (1, S, d/2) -> (B, S, d/2), scaled by mult
    pos = jnp.broadcast_to(pe[:, :S] * MULT, (B, S, pe.shape[2]))
    # self.pe.index(parents): pe[0][parents] * mult -> (B, S, d/2)
    parent_enc = jnp.take(pe[0], parents, axis=0) * MULT
    enc = x + jnp.concatenate([pos, parent_enc], axis=2)
    return enc

if __name__ == "__main__":
    import jax
    _d = setup_inputs()
    print(jax.jit(kernel)(*tuple(_d.values())))

</pallas_src>

<mosaic_0001>
#map = affine_map<(d0, d1) -> (0, 0, 0)>
#map1 = affine_map<(d0, d1) -> (0, 0)>
module attributes {stable_mosaic.version = 14 : i64} {
  func.func @_sc_body(%arg0: i32, %arg1: i32, %arg2: memref<4x2048x2048xf32, #tpu.memory_space<hbm>>, %arg3: memref<4x2048xi32, #tpu.memory_space<hbm>>, %arg4: memref<4096x1024xf32, #tpu.memory_space<hbm>>, %arg5: memref<4x2048x2048xf32, #tpu.memory_space<hbm>>, %arg6: memref<256xi32, #tpu.memory_space<vmem>>, %arg7: memref<8x2048xf32, #tpu.memory_space<vmem>>, %arg8: memref<8x2048xf32, #tpu.memory_space<vmem>>, %arg9: memref<8x2048xf32, #tpu.memory_space<vmem>>, %arg10: memref<8x2048xf32, #tpu.memory_space<vmem>>, %arg11: memref<8x1024xf32, #tpu.memory_space<vmem>>, %arg12: memref<8x1024xf32, #tpu.memory_space<vmem>>, %arg13: memref<8x1024xf32, #tpu.memory_space<vmem>>, %arg14: memref<8x1024xf32, #tpu.memory_space<vmem>>, %arg15: memref<8x1024xf32, #tpu.memory_space<vmem>>, %arg16: memref<8x1024xf32, #tpu.memory_space<vmem>>, %arg17: memref<!tpu.dma_semaphore, #tpu.memory_space<semaphore_mem>>, %arg18: memref<!tpu.dma_semaphore, #tpu.memory_space<semaphore_mem>>, %arg19: memref<!tpu.dma_semaphore, #tpu.memory_space<semaphore_mem>>, %arg20: memref<!tpu.dma_semaphore, #tpu.memory_space<semaphore_mem>>, %arg21: memref<!tpu.dma_semaphore, #tpu.memory_space<semaphore_mem>>, %arg22: memref<!tpu.dma_semaphore, #tpu.memory_space<semaphore_mem>>, %arg23: memref<!tpu.dma_semaphore, #tpu.memory_space<semaphore_mem>>, %arg24: memref<!tpu.dma_semaphore, #tpu.memory_space<semaphore_mem>>, %arg25: memref<!tpu.dma_semaphore, #tpu.memory_space<semaphore_mem>>, %arg26: memref<!tpu.dma_semaphore, #tpu.memory_space<semaphore_mem>>) attributes {dimension_semantics = [#tpu.dimension_semantics<core_parallel>, #tpu.dimension_semantics<subcore_parallel>], iteration_bounds = array<i64: 2, 16>, scalar_prefetch = 0 : i64, scratch_operands = 21 : i64, tpu.core_type = #tpu.core_type<sc_vector_subcore>, window_params = [{transform_indices = #map}, {transform_indices = #map1}, {transform_indices = #map1}, {transform_indices = #map}]} {
    %mul3A = arith.constant 2 : i32
    %mul3A_0 = arith.muli %arg1, %mul3A : i32
    %add3A = arith.addi %mul3A_0, %arg0 : i32
    %jit3A = arith.constant 8 : i32
    %div3A = arith.divsi %add3A, %jit3A : i32
    %sign3A = arith.constant 0 : i32
    %sign3A_1 = arith.cmpi sgt, %add3A, %sign3A : i32
    %sign3A_2 = arith.extui %sign3A_1 : i1 to i32
    %sign3A_3 = arith.constant 0 : i32
    %sign3A_4 = arith.cmpi slt, %add3A, %sign3A_3 : i32
    %sign3A_5 = arith.extui %sign3A_4 : i1 to i32
    %sign3A_6 = arith.subi %sign3A_2, %sign3A_5 : i32
    %sign3A_7 = arith.constant 0 : i32
    %sign3A_8 = arith.cmpi sgt, %jit3A, %sign3A_7 : i32
    %sign3A_9 = arith.extui %sign3A_8 : i1 to i32
    %sign3A_10 = arith.constant 0 : i32
    %sign3A_11 = arith.cmpi slt, %jit3A, %sign3A_10 : i32
    %sign3A_12 = arith.extui %sign3A_11 : i1 to i32
    %sign3A_13 = arith.subi %sign3A_9, %sign3A_12 : i32
    %ne3A = arith.cmpi ne, %sign3A_6, %sign3A_13 : i32
    %rem3A = arith.remsi %add3A, %jit3A : i32
    %ne3A_14 = arith.constant 0 : i32
    %ne3A_15 = arith.cmpi ne, %rem3A, %ne3A_14 : i32
    %and3A = arith.andi %ne3A, %ne3A_15 : i1
    %sub3A = arith.constant 1 : i32
    %sub3A_16 = arith.subi %div3A, %sub3A : i32
    %select_n3A = arith.select %and3A, %sub3A_16, %div3A : i32
    %jit3A_17 = arith.constant 8 : i32
    %eq3A = arith.constant 0 : i32
    %eq3A_18 = arith.cmpi eq, %jit3A_17, %eq3A : i32
    %jit3A_19 = arith.constant 1 : i32
    %select_n3A_20 = arith.select %eq3A_18, %jit3A_19, %jit3A_17 : i32
    %rem3A_21 = arith.remsi %add3A, %select_n3A_20 : i32
    %ne3A_22 = arith.constant 0 : i32
    %ne3A_23 = arith.cmpi ne, %rem3A_21, %ne3A_22 : i32
    %lt3A = arith.constant 0 : i32
    %lt3A_24 = arith.cmpi slt, %rem3A_21, %lt3A : i32
    %lt3A_25 = arith.constant 0 : i32
    %lt3A_26 = arith.cmpi slt, %select_n3A_20, %lt3A_25 : i32
    %ne3A_27 = arith.xori %lt3A_24, %lt3A_26 : i1
    %and3A_28 = arith.andi %ne3A_27, %ne3A_23 : i1
    %add3A_29 = arith.addi %rem3A_21, %select_n3A_20 : i32
    %select_n3A_30 = arith.select %and3A_28, %add3A_29, %rem3A_21 : i32
    %mul3A_31 = arith.constant 256 : i32
    %mul3A_32 = arith.muli %select_n3A_30, %mul3A_31 : i32
    "tpu.region"() ({
      %run_scoped3A = tpu.sem_alloc : memref<!tpu.dma_semaphore, #tpu.memory_space<semaphore_mem>>
      %dma_start3A_268 = tpu.memref_slice %arg3[%select_n3A, %mul3A_32] : memref<4x2048xi32, #tpu.memory_space<hbm>> -> memref<1x256xi32, #tpu.memory_space<hbm>>
      %dma_start3A_269 = tpu.memref_squeeze %dma_start3A_268 : memref<1x256xi32, #tpu.memory_space<hbm>> -> memref<256xi32, #tpu.memory_space<hbm>>
      %dma_start3A_270 = tpu.memref_slice %arg3[%select_n3A, %mul3A_32] : memref<4x2048xi32, #tpu.memory_space<hbm>> -> memref<1x256xi32, #tpu.memory_space<hbm>>
      %dma_start3A_271 = tpu.memref_squeeze %dma_start3A_270 : memref<1x256xi32, #tpu.memory_space<hbm>> -> memref<256xi32, #tpu.memory_space<hbm>>
      tpu.enqueue_dma source(%dma_start3A_271 : memref<256xi32, #tpu.memory_space<hbm>>) target(%arg6 : memref<256xi32, #tpu.memory_space<vmem>>) target_semaphore(%run_scoped3A : memref<!tpu.dma_semaphore, #tpu.memory_space<semaphore_mem>>)
      %dma_wait3A_272 = tpu.memref_slice %arg3[%select_n3A, %mul3A_32] : memref<4x2048xi32, #tpu.memory_space<hbm>> -> memref<1x256xi32, #tpu.memory_space<hbm>>
      %dma_wait3A_273 = tpu.memref_squeeze %dma_wait3A_272 : memref<1x256xi32, #tpu.memory_space<hbm>> -> memref<256xi32, #tpu.memory_space<hbm>>
      %dma_wait3A_274 = tpu.memref_slice %arg3[%select_n3A, %mul3A_32] : memref<4x2048xi32, #tpu.memory_space<hbm>> -> memref<1x256xi32, #tpu.memory_space<hbm>>
      %dma_wait3A_275 = tpu.memref_squeeze %dma_wait3A_274 : memref<1x256xi32, #tpu.memory_space<hbm>> -> memref<256xi32, #tpu.memory_space<hbm>>
      tpu.wait_dma2 semaphore(%run_scoped3A : memref<!tpu.dma_semaphore, #tpu.memory_space<semaphore_mem>>) src(%dma_wait3A_275 : memref<256xi32, #tpu.memory_space<hbm>>) dst(%arg6 : memref<256xi32, #tpu.memory_space<vmem>>)
      tpu.yield
    }) : () -> ()
    %add3A_33 = arith.constant 0 : i32
    %add3A_34 = arith.addi %mul3A_32, %add3A_33 : i32
    %dma_start3A = arith.constant 0 : i32
    %dma_start3A_35 = tpu.memref_slice %arg2[%select_n3A, %add3A_34, %dma_start3A] : memref<4x2048x2048xf32, #tpu.memory_space<hbm>> -> memref<1x8x2048xf32, #tpu.memory_space<hbm>>
    %dma_start3A_36 = tpu.memref_squeeze %dma_start3A_35 : memref<1x8x2048xf32, #tpu.memory_space<hbm>> -> memref<8x2048xf32, #tpu.memory_space<hbm>>
    %dma_start3A_37 = arith.constant 0 : i32
    %dma_start3A_38 = tpu.memref_slice %arg2[%select_n3A, %add3A_34, %dma_start3A_37] : memref<4x2048x2048xf32, #tpu.memory_space<hbm>> -> memref<1x8x2048xf32, #tpu.memory_space<hbm>>
    %dma_start3A_39 = tpu.memref_squeeze %dma_start3A_38 : memref<1x8x2048xf32, #tpu.memory_space<hbm>> -> memref<8x2048xf32, #tpu.memory_space<hbm>>
    tpu.enqueue_dma source(%dma_start3A_39 : memref<8x2048xf32, #tpu.memory_space<hbm>>) target(%arg7 : memref<8x2048xf32, #tpu.memory_space<vmem>>) target_semaphore(%arg17 : memref<!tpu.dma_semaphore, #tpu.memory_space<semaphore_mem>>)
    %dma_start3A_40 = arith.constant 0 : i32
    %dma_start3A_41 = tpu.memref_slice %arg6[%dma_start3A_40] : memref<256xi32, #tpu.memory_space<vmem>> -> memref<8xi32, #tpu.memory_space<vmem>>
    %dma_start3A_42 = arith.constant 0 : i32
    %dma_start3A_43 = arith.constant 0 : i32
    %dma_start3A_44 = tpu.memref_slice %arg4[%dma_start3A_42, %dma_start3A_43] : memref<4096x1024xf32, #tpu.memory_space<hbm>> -> memref<4096x1024xf32, #tpu.memory_space<hbm>>
    tpu.enqueue_indirect_dma source(%dma_start3A_44 : memref<4096x1024xf32, #tpu.memory_space<hbm>>) target(%arg11 : memref<8x1024xf32, #tpu.memory_space<vmem>>) offsets(%dma_start3A_41 : memref<8xi32, #tpu.memory_space<vmem>>) semaphore(%arg17 : memref<!tpu.dma_semaphore, #tpu.memory_space<semaphore_mem>>)
    %add3A_45 = arith.constant 8 : i32
    %add3A_46 = arith.addi %mul3A_32, %add3A_45 : i32
    %dma_start3A_47 = arith.constant 0 : i32
    %dma_start3A_48 = tpu.memref_slice %arg2[%select_n3A, %add3A_46, %dma_start3A_47] : memref<4x2048x2048xf32, #tpu.memory_space<hbm>> -> memref<1x8x2048xf32, #tpu.memory_space<hbm>>
    %dma_start3A_49 = tpu.memref_squeeze %dma_start3A_48 : memref<1x8x2048xf32, #tpu.memory_space<hbm>> -> memref<8x2048xf32, #tpu.memory_space<hbm>>
    %dma_start3A_50 = arith.constant 0 : i32
    %dma_start3A_51 = tpu.memref_slice %arg2[%select_n3A, %add3A_46, %dma_start3A_50] : memref<4x2048x2048xf32, #tpu.memory_space<hbm>> -> memref<1x8x2048xf32, #tpu.memory_space<hbm>>
    %dma_start3A_52 = tpu.memref_squeeze %dma_start3A_51 : memref<1x8x2048xf32, #tpu.memory_space<hbm>> -> memref<8x2048xf32, #tpu.memory_space<hbm>>
    tpu.enqueue_dma source(%dma_start3A_52 : memref<8x2048xf32, #tpu.memory_space<hbm>>) target(%arg8 : memref<8x2048xf32, #tpu.memory_space<vmem>>) target_semaphore(%arg18 : memref<!tpu.dma_semaphore, #tpu.memory_space<semaphore_mem>>)
    %dma_start3A_53 = arith.constant 8 : i32
    %dma_start3A_54 = tpu.memref_slice %arg6[%dma_start3A_53] : memref<256xi32, #tpu.memory_space<vmem>> -> memref<8xi32, #tpu.memory_space<vmem>>
    %dma_start3A_55 = arith.constant 0 : i32
    %dma_start3A_56 = arith.constant 0 : i32
    %dma_start3A_57 = tpu.memref_slice %arg4[%dma_start3A_55, %dma_start3A_56] : memref<4096x1024xf32, #tpu.memory_space<hbm>> -> memref<4096x1024xf32, #tpu.memory_space<hbm>>
    tpu.enqueue_indirect_dma source(%dma_start3A_57 : memref<4096x1024xf32, #tpu.memory_space<hbm>>) target(%arg12 : memref<8x1024xf32, #tpu.memory_space<vmem>>) offsets(%dma_start3A_54 : memref<8xi32, #tpu.memory_space<vmem>>) semaphore(%arg18 : memref<!tpu.dma_semaphore, #tpu.memory_space<semaphore_mem>>)
    %add3A_58 = arith.constant 0 : i32
    %add3A_59 = arith.addi %mul3A_32, %add3A_58 : i32
    %dma_start3A_60 = arith.constant 0 : i32
    %dma_start3A_61 = tpu.memref_slice %arg4[%add3A_59, %dma_start3A_60] : memref<4096x1024xf32, #tpu.memory_space<hbm>> -> memref<8x1024xf32, #tpu.memory_space<hbm>>
    %dma_start3A_62 = arith.constant 0 : i32
    %dma_start3A_63 = tpu.memref_slice %arg4[%add3A_59, %dma_start3A_62] : memref<4096x1024xf32, #tpu.memory_space<hbm>> -> memref<8x1024xf32, #tpu.memory_space<hbm>>
    tpu.enqueue_dma source(%dma_start3A_63 : memref<8x1024xf32, #tpu.memory_space<hbm>>) target(%arg15 : memref<8x1024xf32, #tpu.memory_space<vmem>>) target_semaphore(%arg21 : memref<!tpu.dma_semaphore, #tpu.memory_space<semaphore_mem>>)
    %add3A_64 = arith.constant 16 : i32
    %add3A_65 = arith.addi %mul3A_32, %add3A_64 : i32
    %dma_start3A_66 = arith.constant 0 : i32
    %dma_start3A_67 = tpu.memref_slice %arg2[%select_n3A, %add3A_65, %dma_start3A_66] : memref<4x2048x2048xf32, #tpu.memory_space<hbm>> -> memref<1x8x2048xf32, #tpu.memory_space<hbm>>
    %dma_start3A_68 = tpu.memref_squeeze %dma_start3A_67 : memref<1x8x2048xf32, #tpu.memory_space<hbm>> -> memref<8x2048xf32, #tpu.memory_space<hbm>>
    %dma_start3A_69 = arith.constant 0 : i32
    %dma_start3A_70 = tpu.memref_slice %arg2[%select_n3A, %add3A_65, %dma_start3A_69] : memref<4x2048x2048xf32, #tpu.memory_space<hbm>> -> memref<1x8x2048xf32, #tpu.memory_space<hbm>>
    %dma_start3A_71 = tpu.memref_squeeze %dma_start3A_70 : memref<1x8x2048xf32, #tpu.memory_space<hbm>> -> memref<8x2048xf32, #tpu.memory_space<hbm>>
    tpu.enqueue_dma source(%dma_start3A_71 : memref<8x2048xf32, #tpu.memory_space<hbm>>) target(%arg9 : memref<8x2048xf32, #tpu.memory_space<vmem>>) target_semaphore(%arg19 : memref<!tpu.dma_semaphore, #tpu.memory_space<semaphore_mem>>)
    %dma_start3A_72 = arith.constant 16 : i32
    %dma_start3A_73 = tpu.memref_slice %arg6[%dma_start3A_72] : memref<256xi32, #tpu.memory_space<vmem>> -> memref<8xi32, #tpu.memory_space<vmem>>
    %dma_start3A_74 = arith.constant 0 : i32
    %dma_start3A_75 = arith.constant 0 : i32
    %dma_start3A_76 = tpu.memref_slice %arg4[%dma_start3A_74, %dma_start3A_75] : memref<4096x1024xf32, #tpu.memory_space<hbm>> -> memref<4096x1024xf32, #tpu.memory_space<hbm>>
    tpu.enqueue_indirect_dma source(%dma_start3A_76 : memref<4096x1024xf32, #tpu.memory_space<hbm>>) target(%arg13 : memref<8x1024xf32, #tpu.memory_space<vmem>>) offsets(%dma_start3A_73 : memref<8xi32, #tpu.memory_space<vmem>>) semaphore(%arg19 : memref<!tpu.dma_semaphore, #tpu.memory_space<semaphore_mem>>)
    %add3A_77 = arith.constant 8 : i32
    %add3A_78 = arith.addi %mul3A_32, %add3A_77 : i32
    %dma_start3A_79 = arith.constant 0 : i32
    %dma_start3A_80 = tpu.memref_slice %arg4[%add3A_78, %dma_start3A_79] : memref<4096x1024xf32, #tpu.memory_space<hbm>> -> memref<8x1024xf32, #tpu.memory_space<hbm>>
    %dma_start3A_81 = arith.constant 0 : i32
    %dma_start3A_82 = tpu.memref_slice %arg4[%add3A_78, %dma_start3A_81] : memref<4096x1024xf32, #tpu.memory_space<hbm>> -> memref<8x1024xf32, #tpu.memory_space<hbm>>
    tpu.enqueue_dma source(%dma_start3A_82 : memref<8x1024xf32, #tpu.memory_space<hbm>>) target(%arg16 : memref<8x1024xf32, #tpu.memory_space<vmem>>) target_semaphore(%arg22 : memref<!tpu.dma_semaphore, #tpu.memory_space<semaphore_mem>>)
    %add3A_83 = arith.constant 0 : i32
    %add3A_84 = arith.addi %mul3A_32, %add3A_83 : i32
    %dma_wait3A = arith.constant 0 : i32
    %dma_wait3A_85 = tpu.memref_slice %arg2[%select_n3A, %add3A_84, %dma_wait3A] : memref<4x2048x2048xf32, #tpu.memory_space<hbm>> -> memref<1x8x2048xf32, #tpu.memory_space<hbm>>
    %dma_wait3A_86 = tpu.memref_squeeze %dma_wait3A_85 : memref<1x8x2048xf32, #tpu.memory_space<hbm>> -> memref<8x2048xf32, #tpu.memory_space<hbm>>
    %dma_wait3A_87 = arith.constant 0 : i32
    %dma_wait3A_88 = tpu.memref_slice %arg2[%select_n3A, %add3A_84, %dma_wait3A_87] : memref<4x2048x2048xf32, #tpu.memory_space<hbm>> -> memref<1x8x2048xf32, #tpu.memory_space<hbm>>
    %dma_wait3A_89 = tpu.memref_squeeze %dma_wait3A_88 : memref<1x8x2048xf32, #tpu.memory_space<hbm>> -> memref<8x2048xf32, #tpu.memory_space<hbm>>
    tpu.wait_dma2 semaphore(%arg17 : memref<!tpu.dma_semaphore, #tpu.memory_space<semaphore_mem>>) src(%dma_wait3A_89 : memref<8x2048xf32, #tpu.memory_space<hbm>>) dst(%arg7 : memref<8x2048xf32, #tpu.memory_space<vmem>>)
    %dma_wait3A_90 = arith.constant 0 : i32
    %dma_wait3A_91 = tpu.memref_slice %arg6[%dma_wait3A_90] : memref<256xi32, #tpu.memory_space<vmem>> -> memref<8xi32, #tpu.memory_space<vmem>>
    %dma_wait3A_92 = arith.constant 0 : i32
    %dma_wait3A_93 = arith.constant 0 : i32
    %dma_wait3A_94 = tpu.memref_slice %arg4[%dma_wait3A_92, %dma_wait3A_93] : memref<4096x1024xf32, #tpu.memory_space<hbm>> -> memref<4096x1024xf32, #tpu.memory_space<hbm>>
    tpu.wait_indirect_dma semaphore(%arg17 : memref<!tpu.dma_semaphore, #tpu.memory_space<semaphore_mem>>) src(%dma_wait3A_94 : memref<4096x1024xf32, #tpu.memory_space<hbm>>) dst(%arg11 : memref<8x1024xf32, #tpu.memory_space<vmem>>)
    %add3A_95 = arith.constant 0 : i32
    %add3A_96 = arith.addi %mul3A_32, %add3A_95 : i32
    %dma_wait3A_97 = arith.constant 0 : i32
    %dma_wait3A_98 = tpu.memref_slice %arg4[%add3A_96, %dma_wait3A_97] : memref<4096x1024xf32, #tpu.memory_space<hbm>> -> memref<8x1024xf32, #tpu.memory_space<hbm>>
    %dma_wait3A_99 = arith.constant 0 : i32
    %dma_wait3A_100 = tpu.memref_slice %arg4[%add3A_96, %dma_wait3A_99] : memref<4096x1024xf32, #tpu.memory_space<hbm>> -> memref<8x1024xf32, #tpu.memory_space<hbm>>
    tpu.wait_dma2 semaphore(%arg21 : memref<!tpu.dma_semaphore, #tpu.memory_space<semaphore_mem>>) src(%dma_wait3A_100 : memref<8x1024xf32, #tpu.memory_space<hbm>>) dst(%arg15 : memref<8x1024xf32, #tpu.memory_space<vmem>>)
    %scan3A = arith.constant 0 : i32
    %scan3A_101 = arith.constant 0 : i32
    %scan3A_102 = arith.constant 8 : i32
    %scan3A_103 = arith.addi %scan3A_101, %scan3A_102 : i32
    %scan3A_104 = arith.constant 1 : i32
    scf.for %scan3A_268 = %scan3A_101 to %scan3A_103 step %scan3A_104  : i32 {
      %parallel_loop3A = arith.constant 0 : i32
      %parallel_loop3A_269 = arith.constant 64 : i32
      %parallel_loop3A_270 = arith.constant 1 : i32
      scf.for %parallel_loop3A_271 = %parallel_loop3A to %parallel_loop3A_269 step %parallel_loop3A_270  : i32 {
        %parallel_loop3A_272 = arith.constant 16 : i32
        %parallel_loop3A_273 = arith.muli %parallel_loop3A_271, %parallel_loop3A_272 : i32
        %parallel_loop3A_274 = arith.constant 16 : i32
        %parallel_loop3A_275 = arith.muli %parallel_loop3A_271, %parallel_loop3A_274 : i32
        %parallel_loop3A_276 = arith.constant 1024 : i32
        %parallel_loop3A_277 = arith.addi %parallel_loop3A_276, %parallel_loop3A_275 : i32
        %parallel_loop3A_278 = arith.index_cast %scan3A_268 : i32 to index
        %parallel_loop3A_279 = arith.index_cast %parallel_loop3A_273 : i32 to index
        %parallel_loop3A_280 = tpu.vector_load %arg15[%parallel_loop3A_278, %parallel_loop3A_279] {strides = array<i32>} : memref<8x1024xf32, #tpu.memory_space<vmem>>, vector<1x16xf32>,
        %parallel_loop3A_281 = vector.shape_cast %parallel_loop3A_280 : vector<1x16xf32> to vector<16xf32>
        %parallel_loop3A_282 = arith.index_cast %scan3A_268 : i32 to index
        %parallel_loop3A_283 = arith.index_cast %parallel_loop3A_273 : i32 to index
        %parallel_loop3A_284 = tpu.vector_load %arg7[%parallel_loop3A_282, %parallel_loop3A_283] {strides = array<i32>} : memref<8x2048xf32, #tpu.memory_space<vmem>>, vector<1x16xf32>,
        %parallel_loop3A_285 = vector.shape_cast %parallel_loop3A_284 : vector<1x16xf32> to vector<16xf32>
        %parallel_loop3A_286 = vector.shape_cast %parallel_loop3A_281 : vector<16xf32> to vector<1x16xf32>
        tpu.vector_store %arg7[%parallel_loop3A_282, %parallel_loop3A_283], %parallel_loop3A_286 {add = true, strides = array<i32>} : memref<8x2048xf32, #tpu.memory_space<vmem>>, vector<1x16xf32>,
        %parallel_loop3A_287 = arith.index_cast %scan3A_268 : i32 to index
        %parallel_loop3A_288 = arith.index_cast %parallel_loop3A_273 : i32 to index
        %parallel_loop3A_289 = tpu.vector_load %arg11[%parallel_loop3A_287, %parallel_loop3A_288] {strides = array<i32>} : memref<8x1024xf32, #tpu.memory_space<vmem>>, vector<1x16xf32>,
        %parallel_loop3A_290 = vector.shape_cast %parallel_loop3A_289 : vector<1x16xf32> to vector<16xf32>
        %parallel_loop3A_291 = arith.index_cast %scan3A_268 : i32 to index
        %parallel_loop3A_292 = arith.index_cast %parallel_loop3A_277 : i32 to index
        %parallel_loop3A_293 = tpu.vector_load %arg7[%parallel_loop3A_291, %parallel_loop3A_292] {strides = array<i32>} : memref<8x2048xf32, #tpu.memory_space<vmem>>, vector<1x16xf32>,
        %parallel_loop3A_294 = vector.shape_cast %parallel_loop3A_293 : vector<1x16xf32> to vector<16xf32>
        %parallel_loop3A_295 = vector.shape_cast %parallel_loop3A_290 : vector<16xf32> to vector<1x16xf32>
        tpu.vector_store %arg7[%parallel_loop3A_291, %parallel_loop3A_292], %parallel_loop3A_295 {add = true, strides = array<i32>} : memref<8x2048xf32, #tpu.memory_space<vmem>>, vector<1x16xf32>,
      } {sc.loop_unroll_factor = 4 : i64, sc.parallel_access}
    }
    %scan3A_105 = arith.constant 8 : i32
    %dma_start3A_106 = arith.constant 0 : i32
    %dma_start3A_107 = tpu.memref_slice %arg5[%select_n3A, %add3A_84, %dma_start3A_106] : memref<4x2048x2048xf32, #tpu.memory_space<hbm>> -> memref<1x8x2048xf32, #tpu.memory_space<hbm>>
    %dma_start3A_108 = tpu.memref_squeeze %dma_start3A_107 : memref<1x8x2048xf32, #tpu.memory_space<hbm>> -> memref<8x2048xf32, #tpu.memory_space<hbm>>
    %dma_start3A_109 = arith.constant 0 : i32
    %dma_start3A_110 = tpu.memref_slice %arg5[%select_n3A, %add3A_84, %dma_start3A_109] : memref<4x2048x2048xf32, #tpu.memory_space<hbm>> -> memref<1x8x2048xf32, #tpu.memory_space<hbm>>
    %dma_start3A_111 = tpu.memref_squeeze %dma_start3A_110 : memref<1x8x2048xf32, #tpu.memory_space<hbm>> -> memref<8x2048xf32, #tpu.memory_space<hbm>>
    tpu.enqueue_dma source(%arg7 : memref<8x2048xf32, #tpu.memory_space<vmem>>) target(%dma_start3A_111 : memref<8x2048xf32, #tpu.memory_space<hbm>>) target_semaphore(%arg23 : memref<!tpu.dma_semaphore, #tpu.memory_space<semaphore_mem>>)
    %add3A_112 = arith.constant 24 : i32
    %add3A_113 = arith.addi %mul3A_32, %add3A_112 : i32
    %dma_start3A_114 = arith.constant 0 : i32
    %dma_start3A_115 = tpu.memref_slice %arg2[%select_n3A, %add3A_113, %dma_start3A_114] : memref<4x2048x2048xf32, #tpu.memory_space<hbm>> -> memref<1x8x2048xf32, #tpu.memory_space<hbm>>
    %dma_start3A_116 = tpu.memref_squeeze %dma_start3A_115 : memref<1x8x2048xf32, #tpu.memory_space<hbm>> -> memref<8x2048xf32, #tpu.memory_space<hbm>>
    %dma_start3A_117 = arith.constant 0 : i32
    %dma_start3A_118 = tpu.memref_slice %arg2[%select_n3A, %add3A_113, %dma_start3A_117] : memref<4x2048x2048xf32, #tpu.memory_space<hbm>> -> memref<1x8x2048xf32, #tpu.memory_space<hbm>>
    %dma_start3A_119 = tpu.memref_squeeze %dma_start3A_118 : memref<1x8x2048xf32, #tpu.memory_space<hbm>> -> memref<8x2048xf32, #tpu.memory_space<hbm>>
    tpu.enqueue_dma source(%dma_start3A_119 : memref<8x2048xf32, #tpu.memory_space<hbm>>) target(%arg10 : memref<8x2048xf32, #tpu.memory_space<vmem>>) target_semaphore(%arg20 : memref<!tpu.dma_semaphore, #tpu.memory_space<semaphore_mem>>)
    %dma_start3A_120 = arith.constant 24 : i32
    %dma_start3A_121 = tpu.memref_slice %arg6[%dma_start3A_120] : memref<256xi32, #tpu.memory_space<vmem>> -> memref<8xi32, #tpu.memory_space<vmem>>
    %dma_start3A_122 = arith.constant 0 : i32
    %dma_start3A_123 = arith.constant 0 : i32
    %dma_start3A_124 = tpu.memref_slice %arg4[%dma_start3A_122, %dma_start3A_123] : memref<4096x1024xf32, #tpu.memory_space<hbm>> -> memref<4096x1024xf32, #tpu.memory_space<hbm>>
    tpu.enqueue_indirect_dma source(%dma_start3A_124 : memref<4096x1024xf32, #tpu.memory_space<hbm>>) target(%arg14 : memref<8x1024xf32, #tpu.memory_space<vmem>>) offsets(%dma_start3A_121 : memref<8xi32, #tpu.memory_space<vmem>>) semaphore(%arg20 : memref<!tpu.dma_semaphore, #tpu.memory_space<semaphore_mem>>)
    %add3A_125 = arith.constant 16 : i32
    %add3A_126 = arith.addi %mul3A_32, %add3A_125 : i32
    %dma_start3A_127 = arith.constant 0 : i32
    %dma_start3A_128 = tpu.memref_slice %arg4[%add3A_126, %dma_start3A_127] : memref<4096x1024xf32, #tpu.memory_space<hbm>> -> memref<8x1024xf32, #tpu.memory_space<hbm>>
    %dma_start3A_129 = arith.constant 0 : i32
    %dma_start3A_130 = tpu.memref_slice %arg4[%add3A_126, %dma_start3A_129] : memref<4096x1024xf32, #tpu.memory_space<hbm>> -> memref<8x1024xf32, #tpu.memory_space<hbm>>
    tpu.enqueue_dma source(%dma_start3A_130 : memref<8x1024xf32, #tpu.memory_space<hbm>>) target(%arg15 : memref<8x1024xf32, #tpu.memory_space<vmem>>) target_semaphore(%arg21 : memref<!tpu.dma_semaphore, #tpu.memory_space<semaphore_mem>>)
    %add3A_131 = arith.constant 8 : i32
    %add3A_132 = arith.addi %mul3A_32, %add3A_131 : i32
    %dma_wait3A_133 = arith.constant 0 : i32
    %dma_wait3A_134 = tpu.memref_slice %arg2[%select_n3A, %add3A_132, %dma_wait3A_133] : memref<4x2048x2048xf32, #tpu.memory_space<hbm>> -> memref<1x8x2048xf32, #tpu.memory_space<hbm>>
    %dma_wait3A_135 = tpu.memref_squeeze %dma_wait3A_134 : memref<1x8x2048xf32, #tpu.memory_space<hbm>> -> memref<8x2048xf32, #tpu.memory_space<hbm>>
    %dma_wait3A_136 = arith.constant 0 : i32
    %dma_wait3A_137 = tpu.memref_slice %arg2[%select_n3A, %add3A_132, %dma_wait3A_136] : memref<4x2048x2048xf32, #tpu.memory_space<hbm>> -> memref<1x8x2048xf32, #tpu.memory_space<hbm>>
    %dma_wait3A_138 = tpu.memref_squeeze %dma_wait3A_137 : memref<1x8x2048xf32, #tpu.memory_space<hbm>> -> memref<8x2048xf32, #tpu.memory_space<hbm>>
    tpu.wait_dma2 semaphore(%arg18 : memref<!tpu.dma_semaphore, #tpu.memory_space<semaphore_mem>>) src(%dma_wait3A_138 : memref<8x2048xf32, #tpu.memory_space<hbm>>) dst(%arg8 : memref<8x2048xf32, #tpu.memory_space<vmem>>)
    %dma_wait3A_139 = arith.constant 8 : i32
    %dma_wait3A_140 = tpu.memref_slice %arg6[%dma_wait3A_139] : memref<256xi32, #tpu.memory_space<vmem>> -> memref<8xi32, #tpu.memory_space<vmem>>
    %dma_wait3A_141 = arith.constant 0 : i32
    %dma_wait3A_142 = arith.constant 0 : i32
    %dma_wait3A_143 = tpu.memref_slice %arg4[%dma_wait3A_141, %dma_wait3A_142] : memref<4096x1024xf32, #tpu.memory_space<hbm>> -> memref<4096x1024xf32, #tpu.memory_space<hbm>>
    tpu.wait_indirect_dma semaphore(%arg18 : memref<!tpu.dma_semaphore, #tpu.memory_space<semaphore_mem>>) src(%dma_wait3A_143 : memref<4096x1024xf32, #tpu.memory_space<hbm>>) dst(%arg12 : memref<8x1024xf32, #tpu.memory_space<vmem>>)
    %add3A_144 = arith.constant 8 : i32
    %add3A_145 = arith.addi %mul3A_32, %add3A_144 : i32
    %dma_wait3A_146 = arith.constant 0 : i32
    %dma_wait3A_147 = tpu.memref_slice %arg4[%add3A_145, %dma_wait3A_146] : memref<4096x1024xf32, #tpu.memory_space<hbm>> -> memref<8x1024xf32, #tpu.memory_space<hbm>>
    %dma_wait3A_148 = arith.constant 0 : i32
    %dma_wait3A_149 = tpu.memref_slice %arg4[%add3A_145, %dma_wait3A_148] : memref<4096x1024xf32, #tpu.memory_space<hbm>> -> memref<8x1024xf32, #tpu.memory_space<hbm>>
    tpu.wait_dma2 semaphore(%arg22 : memref<!tpu.dma_semaphore, #tpu.memory_space<semaphore_mem>>) src(%dma_wait3A_149 : memref<8x1024xf32, #tpu.memory_space<hbm>>) dst(%arg16 : memref<8x1024xf32, #tpu.memory_space<vmem>>)
    %scan3A_150 = arith.constant 0 : i32
    %scan3A_151 = arith.constant 0 : i32
    %scan3A_152 = arith.constant 8 : i32
    %scan3A_153 = arith.addi %scan3A_151, %scan3A_152 : i32
    %scan3A_154 = arith.constant 1 : i32
    scf.for %scan3A_268 = %scan3A_151 to %scan3A_153 step %scan3A_154  : i32 {
      %parallel_loop3A = arith.constant 0 : i32
      %parallel_loop3A_269 = arith.constant 64 : i32
      %parallel_loop3A_270 = arith.constant 1 : i32
      scf.for %parallel_loop3A_271 = %parallel_loop3A to %parallel_loop3A_269 step %parallel_loop3A_270  : i32 {
        %parallel_loop3A_272 = arith.constant 16 : i32
        %parallel_loop3A_273 = arith.muli %parallel_loop3A_271, %parallel_loop3A_272 : i32
        %parallel_loop3A_274 = arith.constant 16 : i32
        %parallel_loop3A_275 = arith.muli %parallel_loop3A_271, %parallel_loop3A_274 : i32
        %parallel_loop3A_276 = arith.constant 1024 : i32
        %parallel_loop3A_277 = arith.addi %parallel_loop3A_276, %parallel_loop3A_275 : i32
        %parallel_loop3A_278 = arith.index_cast %scan3A_268 : i32 to index
        %parallel_loop3A_279 = arith.index_cast %parallel_loop3A_273 : i32 to index
        %parallel_loop3A_280 = tpu.vector_load %arg16[%parallel_loop3A_278, %parallel_loop3A_279] {strides = array<i32>} : memref<8x1024xf32, #tpu.memory_space<vmem>>, vector<1x16xf32>,
        %parallel_loop3A_281 = vector.shape_cast %parallel_loop3A_280 : vector<1x16xf32> to vector<16xf32>
        %parallel_loop3A_282 = arith.index_cast %scan3A_268 : i32 to index
        %parallel_loop3A_283 = arith.index_cast %parallel_loop3A_273 : i32 to index
        %parallel_loop3A_284 = tpu.vector_load %arg8[%parallel_loop3A_282, %parallel_loop3A_283] {strides = array<i32>} : memref<8x2048xf32, #tpu.memory_space<vmem>>, vector<1x16xf32>,
        %parallel_loop3A_285 = vector.shape_cast %parallel_loop3A_284 : vector<1x16xf32> to vector<16xf32>
        %parallel_loop3A_286 = vector.shape_cast %parallel_loop3A_281 : vector<16xf32> to vector<1x16xf32>
        tpu.vector_store %arg8[%parallel_loop3A_282, %parallel_loop3A_283], %parallel_loop3A_286 {add = true, strides = array<i32>} : memref<8x2048xf32, #tpu.memory_space<vmem>>, vector<1x16xf32>,
        %parallel_loop3A_287 = arith.index_cast %scan3A_268 : i32 to index
        %parallel_loop3A_288 = arith.index_cast %parallel_loop3A_273 : i32 to index
        %parallel_loop3A_289 = tpu.vector_load %arg12[%parallel_loop3A_287, %parallel_loop3A_288] {strides = array<i32>} : memref<8x1024xf32, #tpu.memory_space<vmem>>, vector<1x16xf32>,
        %parallel_loop3A_290 = vector.shape_cast %parallel_loop3A_289 : vector<1x16xf32> to vector<16xf32>
        %parallel_loop3A_291 = arith.index_cast %scan3A_268 : i32 to index
        %parallel_loop3A_292 = arith.index_cast %parallel_loop3A_277 : i32 to index
        %parallel_loop3A_293 = tpu.vector_load %arg8[%parallel_loop3A_291, %parallel_loop3A_292] {strides = array<i32>} : memref<8x2048xf32, #tpu.memory_space<vmem>>, vector<1x16xf32>,
        %parallel_loop3A_294 = vector.shape_cast %parallel_loop3A_293 : vector<1x16xf32> to vector<16xf32>
        %parallel_loop3A_295 = vector.shape_cast %parallel_loop3A_290 : vector<16xf32> to vector<1x16xf32>
        tpu.vector_store %arg8[%parallel_loop3A_291, %parallel_loop3A_292], %parallel_loop3A_295 {add = true, strides = array<i32>} : memref<8x2048xf32, #tpu.memory_space<vmem>>, vector<1x16xf32>,
      } {sc.loop_unroll_factor = 4 : i64, sc.parallel_access}
    }
    %scan3A_155 = arith.constant 8 : i32
    %dma_start3A_156 = arith.constant 0 : i32
    %dma_start3A_157 = tpu.memref_slice %arg5[%select_n3A, %add3A_132, %dma_start3A_156] : memref<4x2048x2048xf32, #tpu.memory_space<hbm>> -> memref<1x8x2048xf32, #tpu.memory_space<hbm>>
    %dma_start3A_158 = tpu.memref_squeeze %dma_start3A_157 : memref<1x8x2048xf32, #tpu.memory_space<hbm>> -> memref<8x2048xf32, #tpu.memory_space<hbm>>
    %dma_start3A_159 = arith.constant 0 : i32
    %dma_start3A_160 = tpu.memref_slice %arg5[%select_n3A, %add3A_132, %dma_start3A_159] : memref<4x2048x2048xf32, #tpu.memory_space<hbm>> -> memref<1x8x2048xf32, #tpu.memory_space<hbm>>
    %dma_start3A_161 = tpu.memref_squeeze %dma_start3A_160 : memref<1x8x2048xf32, #tpu.memory_space<hbm>> -> memref<8x2048xf32, #tpu.memory_space<hbm>>
    tpu.enqueue_dma source(%arg8 : memref<8x2048xf32, #tpu.memory_space<vmem>>) target(%dma_start3A_161 : memref<8x2048xf32, #tpu.memory_space<hbm>>) target_semaphore(%arg24 : memref<!tpu.dma_semaphore, #tpu.memory_space<semaphore_mem>>)
    %scan3A_162 = arith.constant 0 : i32
    %scan3A_163 = arith.constant 1 : i32
    %scan3A_164 = arith.constant 7 : i32
    %scan3A_165 = arith.addi %scan3A_163, %scan3A_164 : i32
    %scan3A_166 = arith.constant 1 : i32
    scf.for %scan3A_268 = %scan3A_163 to %scan3A_165 step %scan3A_166  : i32 {
      %mul3A_269 = arith.constant 4 : i32
      %mul3A_270 = arith.muli %mul3A_269, %scan3A_268 : i32
      %add3A_271 = arith.constant 0 : i32
      %add3A_272 = arith.addi %mul3A_270, %add3A_271 : i32
      %sub3A_273 = arith.constant 4 : i32
      %sub3A_274 = arith.subi %add3A_272, %sub3A_273 : i32
      %mul3A_275 = arith.constant 8 : i32
      %mul3A_276 = arith.muli %sub3A_274, %mul3A_275 : i32
      %add3A_277 = arith.addi %mul3A_32, %mul3A_276 : i32
      %dma_wait3A_278 = arith.constant 0 : i32
      %dma_wait3A_279 = tpu.memref_slice %arg5[%select_n3A, %add3A_277, %dma_wait3A_278] : memref<4x2048x2048xf32, #tpu.memory_space<hbm>> -> memref<1x8x2048xf32, #tpu.memory_space<hbm>>
      %dma_wait3A_280 = tpu.memref_squeeze %dma_wait3A_279 : memref<1x8x2048xf32, #tpu.memory_space<hbm>> -> memref<8x2048xf32, #tpu.memory_space<hbm>>
      %dma_wait3A_281 = arith.constant 0 : i32
      %dma_wait3A_282 = tpu.memref_slice %arg5[%select_n3A, %add3A_277, %dma_wait3A_281] : memref<4x2048x2048xf32, #tpu.memory_space<hbm>> -> memref<1x8x2048xf32, #tpu.memory_space<hbm>>
      %dma_wait3A_283 = tpu.memref_squeeze %dma_wait3A_282 : memref<1x8x2048xf32, #tpu.memory_space<hbm>> -> memref<8x2048xf32, #tpu.memory_space<hbm>>
      tpu.wait_dma2 semaphore(%arg23 : memref<!tpu.dma_semaphore, #tpu.memory_space<semaphore_mem>>) src(%arg7 : memref<8x2048xf32, #tpu.memory_space<vmem>>) dst(%dma_wait3A_283 : memref<8x2048xf32, #tpu.memory_space<hbm>>)
      %mul3A_284 = arith.constant 8 : i32
      %mul3A_285 = arith.muli %add3A_272, %mul3A_284 : i32
      %add3A_286 = arith.addi %mul3A_32, %mul3A_285 : i32
      %dma_start3A_287 = arith.constant 0 : i32
      %dma_start3A_288 = tpu.memref_slice %arg2[%select_n3A, %add3A_286, %dma_start3A_287] : memref<4x2048x2048xf32, #tpu.memory_space<hbm>> -> memref<1x8x2048xf32, #tpu.memory_space<hbm>>
      %dma_start3A_289 = tpu.memref_squeeze %dma_start3A_288 : memref<1x8x2048xf32, #tpu.memory_space<hbm>> -> memref<8x2048xf32, #tpu.memory_space<hbm>>
      %dma_start3A_290 = arith.constant 0 : i32
      %dma_start3A_291 = tpu.memref_slice %arg2[%select_n3A, %add3A_286, %dma_start3A_290] : memref<4x2048x2048xf32, #tpu.memory_space<hbm>> -> memref<1x8x2048xf32, #tpu.memory_space<hbm>>
      %dma_start3A_292 = tpu.memref_squeeze %dma_start3A_291 : memref<1x8x2048xf32, #tpu.memory_space<hbm>> -> memref<8x2048xf32, #tpu.memory_space<hbm>>
      tpu.enqueue_dma source(%dma_start3A_292 : memref<8x2048xf32, #tpu.memory_space<hbm>>) target(%arg7 : memref<8x2048xf32, #tpu.memory_space<vmem>>) target_semaphore(%arg17 : memref<!tpu.dma_semaphore, #tpu.memory_space<semaphore_mem>>)
      %mul3A_293 = arith.constant 8 : i32
      %mul3A_294 = arith.muli %add3A_272, %mul3A_293 : i32
      %dma_start3A_295 = tpu.memref_slice %arg6[%mul3A_294] : memref<256xi32, #tpu.memory_space<vmem>> -> memref<8xi32, #tpu.memory_space<vmem>>
      %dma_start3A_296 = arith.constant 0 : i32
      %dma_start3A_297 = arith.constant 0 : i32
      %dma_start3A_298 = tpu.memref_slice %arg4[%dma_start3A_296, %dma_start3A_297] : memref<4096x1024xf32, #tpu.memory_space<hbm>> -> memref<4096x1024xf32, #tpu.memory_space<hbm>>
      tpu.enqueue_indirect_dma source(%dma_start3A_298 : memref<4096x1024xf32, #tpu.memory_space<hbm>>) target(%arg11 : memref<8x1024xf32, #tpu.memory_space<vmem>>) offsets(%dma_start3A_295 : memref<8xi32, #tpu.memory_space<vmem>>) semaphore(%arg17 : memref<!tpu.dma_semaphore, #tpu.memory_space<semaphore_mem>>)
      %sub3A_299 = arith.constant 1 : i32
      %sub3A_300 = arith.subi %add3A_272, %sub3A_299 : i32
      %mul3A_301 = arith.constant 8 : i32
      %mul3A_302 = arith.muli %sub3A_300, %mul3A_301 : i32
      %add3A_303 = arith.addi %mul3A_32, %mul3A_302 : i32
      %dma_start3A_304 = arith.constant 0 : i32
      %dma_start3A_305 = tpu.memref_slice %arg4[%add3A_303, %dma_start3A_304] : memref<4096x1024xf32, #tpu.memory_space<hbm>> -> memref<8x1024xf32, #tpu.memory_space<hbm>>
      %dma_start3A_306 = arith.constant 0 : i32
      %dma_start3A_307 = tpu.memref_slice %arg4[%add3A_303, %dma_start3A_306] : memref<4096x1024xf32, #tpu.memory_space<hbm>> -> memref<8x1024xf32, #tpu.memory_space<hbm>>
      tpu.enqueue_dma source(%dma_start3A_307 : memref<8x1024xf32, #tpu.memory_space<hbm>>) target(%arg16 : memref<8x1024xf32, #tpu.memory_space<vmem>>) target_semaphore(%arg22 : memref<!tpu.dma_semaphore, #tpu.memory_space<semaphore_mem>>)
      %sub3A_308 = arith.constant 2 : i32
      %sub3A_309 = arith.subi %add3A_272, %sub3A_308 : i32
      %mul3A_310 = arith.constant 8 : i32
      %mul3A_311 = arith.muli %sub3A_309, %mul3A_310 : i32
      %add3A_312 = arith.addi %mul3A_32, %mul3A_311 : i32
      %dma_wait3A_313 = arith.constant 0 : i32
      %dma_wait3A_314 = tpu.memref_slice %arg2[%select_n3A, %add3A_312, %dma_wait3A_313] : memref<4x2048x2048xf32, #tpu.memory_space<hbm>> -> memref<1x8x2048xf32, #tpu.memory_space<hbm>>
      %dma_wait3A_315 = tpu.memref_squeeze %dma_wait3A_314 : memref<1x8x2048xf32, #tpu.memory_space<hbm>> -> memref<8x2048xf32, #tpu.memory_space<hbm>>
      %dma_wait3A_316 = arith.constant 0 : i32
      %dma_wait3A_317 = tpu.memref_slice %arg2[%select_n3A, %add3A_312, %dma_wait3A_316] : memref<4x2048x2048xf32, #tpu.memory_space<hbm>> -> memref<1x8x2048xf32, #tpu.memory_space<hbm>>
      %dma_wait3A_318 = tpu.memref_squeeze %dma_wait3A_317 : memref<1x8x2048xf32, #tpu.memory_space<hbm>> -> memref<8x2048xf32, #tpu.memory_space<hbm>>
      tpu.wait_dma2 semaphore(%arg19 : memref<!tpu.dma_semaphore, #tpu.memory_space<semaphore_mem>>) src(%dma_wait3A_318 : memref<8x2048xf32, #tpu.memory_space<hbm>>) dst(%arg9 : memref<8x2048xf32, #tpu.memory_space<vmem>>)
      %mul3A_319 = arith.constant 8 : i32
      %mul3A_320 = arith.muli %sub3A_309, %mul3A_319 : i32
      %dma_wait3A_321 = tpu.memref_slice %arg6[%mul3A_320] : memref<256xi32, #tpu.memory_space<vmem>> -> memref<8xi32, #tpu.memory_space<vmem>>
      %dma_wait3A_322 = arith.constant 0 : i32
      %dma_wait3A_323 = arith.constant 0 : i32
      %dma_wait3A_324 = tpu.memref_slice %arg4[%dma_wait3A_322, %dma_wait3A_323] : memref<4096x1024xf32, #tpu.memory_space<hbm>> -> memref<4096x1024xf32, #tpu.memory_space<hbm>>
      tpu.wait_indirect_dma semaphore(%arg19 : memref<!tpu.dma_semaphore, #tpu.memory_space<semaphore_mem>>) src(%dma_wait3A_324 : memref<4096x1024xf32, #tpu.memory_space<hbm>>) dst(%arg13 : memref<8x1024xf32, #tpu.memory_space<vmem>>)
      %mul3A_325 = arith.constant 8 : i32
      %mul3A_326 = arith.muli %sub3A_309, %mul3A_325 : i32
      %add3A_327 = arith.addi %mul3A_32, %mul3A_326 : i32
      %dma_wait3A_328 = arith.constant 0 : i32
      %dma_wait3A_329 = tpu.memref_slice %arg4[%add3A_327, %dma_wait3A_328] : memref<4096x1024xf32, #tpu.memory_space<hbm>> -> memref<8x1024xf32, #tpu.memory_space<hbm>>
      %dma_wait3A_330 = arith.constant 0 : i32
      %dma_wait3A_331 = tpu.memref_slice %arg4[%add3A_327, %dma_wait3A_330] : memref<4096x1024xf32, #tpu.memory_space<hbm>> -> memref<8x1024xf32, #tpu.memory_space<hbm>>
      tpu.wait_dma2 semaphore(%arg21 : memref<!tpu.dma_semaphore, #tpu.memory_space<semaphore_mem>>) src(%dma_wait3A_331 : memref<8x1024xf32, #tpu.memory_space<hbm>>) dst(%arg15 : memref<8x1024xf32, #tpu.memory_space<vmem>>)
      %scan3A_332 = arith.constant 0 : i32
      %scan3A_333 = arith.constant 0 : i32
      %scan3A_334 = arith.constant 8 : i32
      %scan3A_335 = arith.addi %scan3A_333, %scan3A_334 : i32
      %scan3A_336 = arith.constant 1 : i32
      scf.for %scan3A_569 = %scan3A_333 to %scan3A_335 step %scan3A_336  : i32 {
        %parallel_loop3A = arith.constant 0 : i32
        %parallel_loop3A_570 = arith.constant 64 : i32
        %parallel_loop3A_571 = arith.constant 1 : i32
        scf.for %parallel_loop3A_572 = %parallel_loop3A to %parallel_loop3A_570 step %parallel_loop3A_571  : i32 {
          %parallel_loop3A_573 = arith.constant 16 : i32
          %parallel_loop3A_574 = arith.muli %parallel_loop3A_572, %parallel_loop3A_573 : i32
          %parallel_loop3A_575 = arith.constant 16 : i32
          %parallel_loop3A_576 = arith.muli %parallel_loop3A_572, %parallel_loop3A_575 : i32
          %parallel_loop3A_577 = arith.constant 1024 : i32
          %parallel_loop3A_578 = arith.addi %parallel_loop3A_577, %parallel_loop3A_576 : i32
          %parallel_loop3A_579 = arith.index_cast %scan3A_569 : i32 to index
          %parallel_loop3A_580 = arith.index_cast %parallel_loop3A_574 : i32 to index
          %parallel_loop3A_581 = tpu.vector_load %arg15[%parallel_loop3A_579, %parallel_loop3A_580] {strides = array<i32>} : memref<8x1024xf32, #tpu.memory_space<vmem>>, vector<1x16xf32>,
          %parallel_loop3A_582 = vector.shape_cast %parallel_loop3A_581 : vector<1x16xf32> to vector<16xf32>
          %parallel_loop3A_583 = arith.index_cast %scan3A_569 : i32 to index
          %parallel_loop3A_584 = arith.index_cast %parallel_loop3A_574 : i32 to index
          %parallel_loop3A_585 = tpu.vector_load %arg9[%parallel_loop3A_583, %parallel_loop3A_584] {strides = array<i32>} : memref<8x2048xf32, #tpu.memory_space<vmem>>, vector<1x16xf32>,
          %parallel_loop3A_586 = vector.shape_cast %parallel_loop3A_585 : vector<1x16xf32> to vector<16xf32>
          %parallel_loop3A_587 = vector.shape_cast %parallel_loop3A_582 : vector<16xf32> to vector<1x16xf32>
          tpu.vector_store %arg9[%parallel_loop3A_583, %parallel_loop3A_584], %parallel_loop3A_587 {add = true, strides = array<i32>} : memref<8x2048xf32, #tpu.memory_space<vmem>>, vector<1x16xf32>,
          %parallel_loop3A_588 = arith.index_cast %scan3A_569 : i32 to index
          %parallel_loop3A_589 = arith.index_cast %parallel_loop3A_574 : i32 to index
          %parallel_loop3A_590 = tpu.vector_load %arg13[%parallel_loop3A_588, %parallel_loop3A_589] {strides = array<i32>} : memref<8x1024xf32, #tpu.memory_space<vmem>>, vector<1x16xf32>,
          %parallel_loop3A_591 = vector.shape_cast %parallel_loop3A_590 : vector<1x16xf32> to vector<16xf32>
          %parallel_loop3A_592 = arith.index_cast %scan3A_569 : i32 to index
          %parallel_loop3A_593 = arith.index_cast %parallel_loop3A_578 : i32 to index
          %parallel_loop3A_594 = tpu.vector_load %arg9[%parallel_loop3A_592, %parallel_loop3A_593] {strides = array<i32>} : memref<8x2048xf32, #tpu.memory_space<vmem>>, vector<1x16xf32>,
          %parallel_loop3A_595 = vector.shape_cast %parallel_loop3A_594 : vector<1x16xf32> to vector<16xf32>
          %parallel_loop3A_596 = vector.shape_cast %parallel_loop3A_591 : vector<16xf32> to vector<1x16xf32>
          tpu.vector_store %arg9[%parallel_loop3A_592, %parallel_loop3A_593], %parallel_loop3A_596 {add = true, strides = array<i32>} : memref<8x2048xf32, #tpu.memory_space<vmem>>, vector<1x16xf32>,
        } {sc.loop_unroll_factor = 4 : i64, sc.parallel_access}
      }
      %scan3A_337 = arith.constant 8 : i32
      %dma_start3A_338 = arith.constant 0 : i32
      %dma_start3A_339 = tpu.memref_slice %arg5[%select_n3A, %add3A_312, %dma_start3A_338] : memref<4x2048x2048xf32, #tpu.memory_space<hbm>> -> memref<1x8x2048xf32, #tpu.memory_space<hbm>>
      %dma_start3A_340 = tpu.memref_squeeze %dma_start3A_339 : memref<1x8x2048xf32, #tpu.memory_space<hbm>> -> memref<8x2048xf32, #tpu.memory_space<hbm>>
      %dma_start3A_341 = arith.constant 0 : i32
      %dma_start3A_342 = tpu.memref_slice %arg5[%select_n3A, %add3A_312, %dma_start3A_341] : memref<4x2048x2048xf32, #tpu.memory_space<hbm>> -> memref<1x8x2048xf32, #tpu.memory_space<hbm>>
      %dma_start3A_343 = tpu.memref_squeeze %dma_start3A_342 : memref<1x8x2048xf32, #tpu.memory_space<hbm>> -> memref<8x2048xf32, #tpu.memory_space<hbm>>
      tpu.enqueue_dma source(%arg9 : memref<8x2048xf32, #tpu.memory_space<vmem>>) target(%dma_start3A_343 : memref<8x2048xf32, #tpu.memory_space<hbm>>) target_semaphore(%arg25 : memref<!tpu.dma_semaphore, #tpu.memory_space<semaphore_mem>>)
      %mul3A_344 = arith.constant 4 : i32
      %mul3A_345 = arith.muli %mul3A_344, %scan3A_268 : i32
      %add3A_346 = arith.constant 1 : i32
      %add3A_347 = arith.addi %mul3A_345, %add3A_346 : i32
      %sub3A_348 = arith.constant 4 : i32
      %sub3A_349 = arith.subi %add3A_347, %sub3A_348 : i32
      %mul3A_350 = arith.constant 8 : i32
      %mul3A_351 = arith.muli %sub3A_349, %mul3A_350 : i32
      %add3A_352 = arith.addi %mul3A_32, %mul3A_351 : i32
      %dma_wait3A_353 = arith.constant 0 : i32
      %dma_wait3A_354 = tpu.memref_slice %arg5[%select_n3A, %add3A_352, %dma_wait3A_353] : memref<4x2048x2048xf32, #tpu.memory_space<hbm>> -> memref<1x8x2048xf32, #tpu.memory_space<hbm>>
      %dma_wait3A_355 = tpu.memref_squeeze %dma_wait3A_354 : memref<1x8x2048xf32, #tpu.memory_space<hbm>> -> memref<8x2048xf32, #tpu.memory_space<hbm>>
      %dma_wait3A_356 = arith.constant 0 : i32
      %dma_wait3A_357 = tpu.memref_slice %arg5[%select_n3A, %add3A_352, %dma_wait3A_356] : memref<4x2048x2048xf32, #tpu.memory_space<hbm>> -> memref<1x8x2048xf32, #tpu.memory_space<hbm>>
      %dma_wait3A_358 = tpu.memref_squeeze %dma_wait3A_357 : memref<1x8x2048xf32, #tpu.memory_space<hbm>> -> memref<8x2048xf32, #tpu.memory_space<hbm>>
      tpu.wait_dma2 semaphore(%arg24 : memref<!tpu.dma_semaphore, #tpu.memory_space<semaphore_mem>>) src(%arg8 : memref<8x2048xf32, #tpu.memory_space<vmem>>) dst(%dma_wait3A_358 : memref<8x2048xf32, #tpu.memory_space<hbm>>)
      %mul3A_359 = arith.constant 8 : i32
      %mul3A_360 = arith.muli %add3A_347, %mul3A_359 : i32
      %add3A_361 = arith.addi %mul3A_32, %mul3A_360 : i32
      %dma_start3A_362 = arith.constant 0 : i32
      %dma_start3A_363 = tpu.memref_slice %arg2[%select_n3A, %add3A_361, %dma_start3A_362] : memref<4x2048x2048xf32, #tpu.memory_space<hbm>> -> memref<1x8x2048xf32, #tpu.memory_space<hbm>>
      %dma_start3A_364 = tpu.memref_squeeze %dma_start3A_363 : memref<1x8x2048xf32, #tpu.memory_space<hbm>> -> memref<8x2048xf32, #tpu.memory_space<hbm>>
      %dma_start3A_365 = arith.constant 0 : i32
      %dma_start3A_366 = tpu.memref_slice %arg2[%select_n3A, %add3A_361, %dma_start3A_365] : memref<4x2048x2048xf32, #tpu.memory_space<hbm>> -> memref<1x8x2048xf32, #tpu.memory_space<hbm>>
      %dma_start3A_367 = tpu.memref_squeeze %dma_start3A_366 : memref<1x8x2048xf32, #tpu.memory_space<hbm>> -> memref<8x2048xf32, #tpu.memory_space<hbm>>
      tpu.enqueue_dma source(%dma_start3A_367 : memref<8x2048xf32, #tpu.memory_space<hbm>>) target(%arg8 : memref<8x2048xf32, #tpu.memory_space<vmem>>) target_semaphore(%arg18 : memref<!tpu.dma_semaphore, #tpu.memory_space<semaphore_mem>>)
      %mul3A_368 = arith.constant 8 : i32
      %mul3A_369 = arith.muli %add3A_347, %mul3A_368 : i32
      %dma_start3A_370 = tpu.memref_slice %arg6[%mul3A_369] : memref<256xi32, #tpu.memory_space<vmem>> -> memref<8xi32, #tpu.memory_space<vmem>>
      %dma_start3A_371 = arith.constant 0 : i32
      %dma_start3A_372 = arith.constant 0 : i32
      %dma_start3A_373 = tpu.memref_slice %arg4[%dma_start3A_371, %dma_start3A_372] : memref<4096x1024xf32, #tpu.memory_space<hbm>> -> memref<4096x1024xf32, #tpu.memory_space<hbm>>
      tpu.enqueue_indirect_dma source(%dma_start3A_373 : memref<4096x1024xf32, #tpu.memory_space<hbm>>) target(%arg12 : memref<8x1024xf32, #tpu.memory_space<vmem>>) offsets(%dma_start3A_370 : memref<8xi32, #tpu.memory_space<vmem>>) semaphore(%arg18 : memref<!tpu.dma_semaphore, #tpu.memory_space<semaphore_mem>>)
      %sub3A_374 = arith.constant 1 : i32
      %sub3A_375 = arith.subi %add3A_347, %sub3A_374 : i32
      %mul3A_376 = arith.constant 8 : i32
      %mul3A_377 = arith.muli %sub3A_375, %mul3A_376 : i32
      %add3A_378 = arith.addi %mul3A_32, %mul3A_377 : i32
      %dma_start3A_379 = arith.constant 0 : i32
      %dma_start3A_380 = tpu.memref_slice %arg4[%add3A_378, %dma_start3A_379] : memref<4096x1024xf32, #tpu.memory_space<hbm>> -> memref<8x1024xf32, #tpu.memory_space<hbm>>
      %dma_start3A_381 = arith.constant 0 : i32
      %dma_start3A_382 = tpu.memref_slice %arg4[%add3A_378, %dma_start3A_381] : memref<4096x1024xf32, #tpu.memory_space<hbm>> -> memref<8x1024xf32, #tpu.memory_space<hbm>>
      tpu.enqueue_dma source(%dma_start3A_382 : memref<8x1024xf32, #tpu.memory_space<hbm>>) target(%arg15 : memref<8x1024xf32, #tpu.memory_space<vmem>>) target_semaphore(%arg21 : memref<!tpu.dma_semaphore, #tpu.memory_space<semaphore_mem>>)
      %sub3A_383 = arith.constant 2 : i32
      %sub3A_384 = arith.subi %add3A_347, %sub3A_383 : i32
      %mul3A_385 = arith.constant 8 : i32
      %mul3A_386 = arith.muli %sub3A_384, %mul3A_385 : i32
      %add3A_387 = arith.addi %mul3A_32, %mul3A_386 : i32
      %dma_wait3A_388 = arith.constant 0 : i32
      %dma_wait3A_389 = tpu.memref_slice %arg2[%select_n3A, %add3A_387, %dma_wait3A_388] : memref<4x2048x2048xf32, #tpu.memory_space<hbm>> -> memref<1x8x2048xf32, #tpu.memory_space<hbm>>
      %dma_wait3A_390 = tpu.memref_squeeze %dma_wait3A_389 : memref<1x8x2048xf32, #tpu.memory_space<hbm>> -> memref<8x2048xf32, #tpu.memory_space<hbm>>
      %dma_wait3A_391 = arith.constant 0 : i32
      %dma_wait3A_392 = tpu.memref_slice %arg2[%select_n3A, %add3A_387, %dma_wait3A_391] : memref<4x2048x2048xf32, #tpu.memory_space<hbm>> -> memref<1x8x2048xf32, #tpu.memory_space<hbm>>
      %dma_wait3A_393 = tpu.memref_squeeze %dma_wait3A_392 : memref<1x8x2048xf32, #tpu.memory_space<hbm>> -> memref<8x2048xf32, #tpu.memory_space<hbm>>
      tpu.wait_dma2 semaphore(%arg20 : memref<!tpu.dma_semaphore, #tpu.memory_space<semaphore_mem>>) src(%dma_wait3A_393 : memref<8x2048xf32, #tpu.memory_space<hbm>>) dst(%arg10 : memref<8x2048xf32, #tpu.memory_space<vmem>>)
      %mul3A_394 = arith.constant 8 : i32
      %mul3A_395 = arith.muli %sub3A_384, %mul3A_394 : i32
      %dma_wait3A_396 = tpu.memref_slice %arg6[%mul3A_395] : memref<256xi32, #tpu.memory_space<vmem>> -> memref<8xi32, #tpu.memory_space<vmem>>
      %dma_wait3A_397 = arith.constant 0 : i32
      %dma_wait3A_398 = arith.constant 0 : i32
      %dma_wait3A_399 = tpu.memref_slice %arg4[%dma_wait3A_397, %dma_wait3A_398] : memref<4096x1024xf32, #tpu.memory_space<hbm>> -> memref<4096x1024xf32, #tpu.memory_space<hbm>>
      tpu.wait_indirect_dma semaphore(%arg20 : memref<!tpu.dma_semaphore, #tpu.memory_space<semaphore_mem>>) src(%dma_wait3A_399 : memref<4096x1024xf32, #tpu.memory_space<hbm>>) dst(%arg14 : memref<8x1024xf32, #tpu.memory_space<vmem>>)
      %mul3A_400 = arith.constant 8 : i32
      %mul3A_401 = arith.muli %sub3A_384, %mul3A_400 : i32
      %add3A_402 = arith.addi %mul3A_32, %mul3A_401 : i32
      %dma_wait3A_403 = arith.constant 0 : i32
      %dma_wait3A_404 = tpu.memref_slice %arg4[%add3A_402, %dma_wait3A_403] : memref<4096x1024xf32, #tpu.memory_space<hbm>> -> memref<8x1024xf32, #tpu.memory_space<hbm>>
      %dma_wait3A_405 = arith.constant 0 : i32
      %dma_wait3A_406 = tpu.memref_slice %arg4[%add3A_402, %dma_wait3A_405] : memref<4096x1024xf32, #tpu.memory_space<hbm>> -> memref<8x1024xf32, #tpu.memory_space<hbm>>
      tpu.wait_dma2 semaphore(%arg22 : memref<!tpu.dma_semaphore, #tpu.memory_space<semaphore_mem>>) src(%dma_wait3A_406 : memref<8x1024xf32, #tpu.memory_space<hbm>>) dst(%arg16 : memref<8x1024xf32, #tpu.memory_space<vmem>>)
      %scan3A_407 = arith.constant 0 : i32
      %scan3A_408 = arith.constant 0 : i32
      %scan3A_409 = arith.constant 8 : i32
      %scan3A_410 = arith.addi %scan3A_408, %scan3A_409 : i32
      %scan3A_411 = arith.constant 1 : i32
      scf.for %scan3A_569 = %scan3A_408 to %scan3A_410 step %scan3A_411  : i32 {
        %parallel_loop3A = arith.constant 0 : i32
        %parallel_loop3A_570 = arith.constant 64 : i32
        %parallel_loop3A_571 = arith.constant 1 : i32
        scf.for %parallel_loop3A_572 = %parallel_loop3A to %parallel_loop3A_570 step %parallel_loop3A_571  : i32 {
          %parallel_loop3A_573 = arith.constant 16 : i32
          %parallel_loop3A_574 = arith.muli %parallel_loop3A_572, %parallel_loop3A_573 : i32
          %parallel_loop3A_575 = arith.constant 16 : i32
          %parallel_loop3A_576 = arith.muli %parallel_loop3A_572, %parallel_loop3A_575 : i32
          %parallel_loop3A_577 = arith.constant 1024 : i32
          %parallel_loop3A_578 = arith.addi %parallel_loop3A_577, %parallel_loop3A_576 : i32
          %parallel_loop3A_579 = arith.index_cast %scan3A_569 : i32 to index
          %parallel_loop3A_580 = arith.index_cast %parallel_loop3A_574 : i32 to index
          %parallel_loop3A_581 = tpu.vector_load %arg16[%parallel_loop3A_579, %parallel_loop3A_580] {strides = array<i32>} : memref<8x1024xf32, #tpu.memory_space<vmem>>, vector<1x16xf32>,
          %parallel_loop3A_582 = vector.shape_cast %parallel_loop3A_581 : vector<1x16xf32> to vector<16xf32>
          %parallel_loop3A_583 = arith.index_cast %scan3A_569 : i32 to index
          %parallel_loop3A_584 = arith.index_cast %parallel_loop3A_574 : i32 to index
          %parallel_loop3A_585 = tpu.vector_load %arg10[%parallel_loop3A_583, %parallel_loop3A_584] {strides = array<i32>} : memref<8x2048xf32, #tpu.memory_space<vmem>>, vector<1x16xf32>,
          %parallel_loop3A_586 = vector.shape_cast %parallel_loop3A_585 : vector<1x16xf32> to vector<16xf32>
          %parallel_loop3A_587 = vector.shape_cast %parallel_loop3A_582 : vector<16xf32> to vector<1x16xf32>
          tpu.vector_store %arg10[%parallel_loop3A_583, %parallel_loop3A_584], %parallel_loop3A_587 {add = true, strides = array<i32>} : memref<8x2048xf32, #tpu.memory_space<vmem>>, vector<1x16xf32>,
          %parallel_loop3A_588 = arith.index_cast %scan3A_569 : i32 to index
          %parallel_loop3A_589 = arith.index_cast %parallel_loop3A_574 : i32 to index
          %parallel_loop3A_590 = tpu.vector_load %arg14[%parallel_loop3A_588, %parallel_loop3A_589] {strides = array<i32>} : memref<8x1024xf32, #tpu.memory_space<vmem>>, vector<1x16xf32>,
          %parallel_loop3A_591 = vector.shape_cast %parallel_loop3A_590 : vector<1x16xf32> to vector<16xf32>
          %parallel_loop3A_592 = arith.index_cast %scan3A_569 : i32 to index
          %parallel_loop3A_593 = arith.index_cast %parallel_loop3A_578 : i32 to index
          %parallel_loop3A_594 = tpu.vector_load %arg10[%parallel_loop3A_592, %parallel_loop3A_593] {strides = array<i32>} : memref<8x2048xf32, #tpu.memory_space<vmem>>, vector<1x16xf32>,
          %parallel_loop3A_595 = vector.shape_cast %parallel_loop3A_594 : vector<1x16xf32> to vector<16xf32>
          %parallel_loop3A_596 = vector.shape_cast %parallel_loop3A_591 : vector<16xf32> to vector<1x16xf32>
          tpu.vector_store %arg10[%parallel_loop3A_592, %parallel_loop3A_593], %parallel_loop3A_596 {add = true, strides = array<i32>} : memref<8x2048xf32, #tpu.memory_space<vmem>>, vector<1x16xf32>,
        } {sc.loop_unroll_factor = 4 : i64, sc.parallel_access}
      }
      %scan3A_412 = arith.constant 8 : i32
      %dma_start3A_413 = arith.constant 0 : i32
      %dma_start3A_414 = tpu.memref_slice %arg5[%select_n3A, %add3A_387, %dma_start3A_413] : memref<4x2048x2048xf32, #tpu.memory_space<hbm>> -> memref<1x8x2048xf32, #tpu.memory_space<hbm>>
      %dma_start3A_415 = tpu.memref_squeeze %dma_start3A_414 : memref<1x8x2048xf32, #tpu.memory_space<hbm>> -> memref<8x2048xf32, #tpu.memory_space<hbm>>
      %dma_start3A_416 = arith.constant 0 : i32
      %dma_start3A_417 = tpu.memref_slice %arg5[%select_n3A, %add3A_387, %dma_start3A_416] : memref<4x2048x2048xf32, #tpu.memory_space<hbm>> -> memref<1x8x2048xf32, #tpu.memory_space<hbm>>
      %dma_start3A_418 = tpu.memref_squeeze %dma_start3A_417 : memref<1x8x2048xf32, #tpu.memory_space<hbm>> -> memref<8x2048xf32, #tpu.memory_space<hbm>>
      tpu.enqueue_dma source(%arg10 : memref<8x2048xf32, #tpu.memory_space<vmem>>) target(%dma_start3A_418 : memref<8x2048xf32, #tpu.memory_space<hbm>>) target_semaphore(%arg26 : memref<!tpu.dma_semaphore, #tpu.memory_space<semaphore_mem>>)
      %mul3A_419 = arith.constant 4 : i32
      %mul3A_420 = arith.muli %mul3A_419, %scan3A_268 : i32
      %add3A_421 = arith.constant 2 : i32
      %add3A_422 = arith.addi %mul3A_420, %add3A_421 : i32
      %sub3A_423 = arith.constant 4 : i32
      %sub3A_424 = arith.subi %add3A_422, %sub3A_423 : i32
      %mul3A_425 = arith.constant 8 : i32
      %mul3A_426 = arith.muli %sub3A_424, %mul3A_425 : i32
      %add3A_427 = arith.addi %mul3A_32, %mul3A_426 : i32
      %dma_wait3A_428 = arith.constant 0 : i32
      %dma_wait3A_429 = tpu.memref_slice %arg5[%select_n3A, %add3A_427, %dma_wait3A_428] : memref<4x2048x2048xf32, #tpu.memory_space<hbm>> -> memref<1x8x2048xf32, #tpu.memory_space<hbm>>
      %dma_wait3A_430 = tpu.memref_squeeze %dma_wait3A_429 : memref<1x8x2048xf32, #tpu.memory_space<hbm>> -> memref<8x2048xf32, #tpu.memory_space<hbm>>
      %dma_wait3A_431 = arith.constant 0 : i32
      %dma_wait3A_432 = tpu.memref_slice %arg5[%select_n3A, %add3A_427, %dma_wait3A_431] : memref<4x2048x2048xf32, #tpu.memory_space<hbm>> -> memref<1x8x2048xf32, #tpu.memory_space<hbm>>
      %dma_wait3A_433 = tpu.memref_squeeze %dma_wait3A_432 : memref<1x8x2048xf32, #tpu.memory_space<hbm>> -> memref<8x2048xf32, #tpu.memory_space<hbm>>
      tpu.wait_dma2 semaphore(%arg25 : memref<!tpu.dma_semaphore, #tpu.memory_space<semaphore_mem>>) src(%arg9 : memref<8x2048xf32, #tpu.memory_space<vmem>>) dst(%dma_wait3A_433 : memref<8x2048xf32, #tpu.memory_space<hbm>>)
      %mul3A_434 = arith.constant 8 : i32
      %mul3A_435 = arith.muli %add3A_422, %mul3A_434 : i32
      %add3A_436 = arith.addi %mul3A_32, %mul3A_435 : i32
      %dma_start3A_437 = arith.constant 0 : i32
      %dma_start3A_438 = tpu.memref_slice %arg2[%select_n3A, %add3A_436, %dma_start3A_437] : memref<4x2048x2048xf32, #tpu.memory_space<hbm>> -> memref<1x8x2048xf32, #tpu.memory_space<hbm>>
      %dma_start3A_439 = tpu.memref_squeeze %dma_start3A_438 : memref<1x8x2048xf32, #tpu.memory_space<hbm>> -> memref<8x2048xf32, #tpu.memory_space<hbm>>
      %dma_start3A_440 = arith.constant 0 : i32
      %dma_start3A_441 = tpu.memref_slice %arg2[%select_n3A, %add3A_436, %dma_start3A_440] : memref<4x2048x2048xf32, #tpu.memory_space<hbm>> -> memref<1x8x2048xf32, #tpu.memory_space<hbm>>
      %dma_start3A_442 = tpu.memref_squeeze %dma_start3A_441 : memref<1x8x2048xf32, #tpu.memory_space<hbm>> -> memref<8x2048xf32, #tpu.memory_space<hbm>>
      tpu.enqueue_dma source(%dma_start3A_442 : memref<8x2048xf32, #tpu.memory_space<hbm>>) target(%arg9 : memref<8x2048xf32, #tpu.memory_space<vmem>>) target_semaphore(%arg19 : memref<!tpu.dma_semaphore, #tpu.memory_space<semaphore_mem>>)
      %mul3A_443 = arith.constant 8 : i32
      %mul3A_444 = arith.muli %add3A_422, %mul3A_443 : i32
      %dma_start3A_445 = tpu.memref_slice %arg6[%mul3A_444] : memref<256xi32, #tpu.memory_space<vmem>> -> memref<8xi32, #tpu.memory_space<vmem>>
      %dma_start3A_446 = arith.constant 0 : i32
      %dma_start3A_447 = arith.constant 0 : i32
      %dma_start3A_448 = tpu.memref_slice %arg4[%dma_start3A_446, %dma_start3A_447] : memref<4096x1024xf32, #tpu.memory_space<hbm>> -> memref<4096x1024xf32, #tpu.memory_space<hbm>>
      tpu.enqueue_indirect_dma source(%dma_start3A_448 : memref<4096x1024xf32, #tpu.memory_space<hbm>>) target(%arg13 : memref<8x1024xf32, #tpu.memory_space<vmem>>) offsets(%dma_start3A_445 : memref<8xi32, #tpu.memory_space<vmem>>) semaphore(%arg19 : memref<!tpu.dma_semaphore, #tpu.memory_space<semaphore_mem>>)
      %sub3A_449 = arith.constant 1 : i32
      %sub3A_450 = arith.subi %add3A_422, %sub3A_449 : i32
      %mul3A_451 = arith.constant 8 : i32
      %mul3A_452 = arith.muli %sub3A_450, %mul3A_451 : i32
      %add3A_453 = arith.addi %mul3A_32, %mul3A_452 : i32
      %dma_start3A_454 = arith.constant 0 : i32
      %dma_start3A_455 = tpu.memref_slice %arg4[%add3A_453, %dma_start3A_454] : memref<4096x1024xf32, #tpu.memory_space<hbm>> -> memref<8x1024xf32, #tpu.memory_space<hbm>>
      %dma_start3A_456 = arith.constant 0 : i32
      %dma_start3A_457 = tpu.memref_slice %arg4[%add3A_453, %dma_start3A_456] : memref<4096x1024xf32, #tpu.memory_space<hbm>> -> memref<8x1024xf32, #tpu.memory_space<hbm>>
      tpu.enqueue_dma source(%dma_start3A_457 : memref<8x1024xf32, #tpu.memory_space<hbm>>) target(%arg16 : memref<8x1024xf32, #tpu.memory_space<vmem>>) target_semaphore(%arg22 : memref<!tpu.dma_semaphore, #tpu.memory_space<semaphore_mem>>)
      %sub3A_458 = arith.constant 2 : i32
      %sub3A_459 = arith.subi %add3A_422, %sub3A_458 : i32
      %mul3A_460 = arith.constant 8 : i32
      %mul3A_461 = arith.muli %sub3A_459, %mul3A_460 : i32
      %add3A_462 = arith.addi %mul3A_32, %mul3A_461 : i32
      %dma_wait3A_463 = arith.constant 0 : i32
      %dma_wait3A_464 = tpu.memref_slice %arg2[%select_n3A, %add3A_462, %dma_wait3A_463] : memref<4x2048x2048xf32, #tpu.memory_space<hbm>> -> memref<1x8x2048xf32, #tpu.memory_space<hbm>>
      %dma_wait3A_465 = tpu.memref_squeeze %dma_wait3A_464 : memref<1x8x2048xf32, #tpu.memory_space<hbm>> -> memref<8x2048xf32, #tpu.memory_space<hbm>>
      %dma_wait3A_466 = arith.constant 0 : i32
      %dma_wait3A_467 = tpu.memref_slice %arg2[%select_n3A, %add3A_462, %dma_wait3A_466] : memref<4x2048x2048xf32, #tpu.memory_space<hbm>> -> memref<1x8x2048xf32, #tpu.memory_space<hbm>>
      %dma_wait3A_468 = tpu.memref_squeeze %dma_wait3A_467 : memref<1x8x2048xf32, #tpu.memory_space<hbm>> -> memref<8x2048xf32, #tpu.memory_space<hbm>>
      tpu.wait_dma2 semaphore(%arg17 : memref<!tpu.dma_semaphore, #tpu.memory_space<semaphore_mem>>) src(%dma_wait3A_468 : memref<8x2048xf32, #tpu.memory_space<hbm>>) dst(%arg7 : memref<8x2048xf32, #tpu.memory_space<vmem>>)
      %mul3A_469 = arith.constant 8 : i32
      %mul3A_470 = arith.muli %sub3A_459, %mul3A_469 : i32
      %dma_wait3A_471 = tpu.memref_slice %arg6[%mul3A_470] : memref<256xi32, #tpu.memory_space<vmem>> -> memref<8xi32, #tpu.memory_space<vmem>>
      %dma_wait3A_472 = arith.constant 0 : i32
      %dma_wait3A_473 = arith.constant 0 : i32
      %dma_wait3A_474 = tpu.memref_slice %arg4[%dma_wait3A_472, %dma_wait3A_473] : memref<4096x1024xf32, #tpu.memory_space<hbm>> -> memref<4096x1024xf32, #tpu.memory_space<hbm>>
      tpu.wait_indirect_dma semaphore(%arg17 : memref<!tpu.dma_semaphore, #tpu.memory_space<semaphore_mem>>) src(%dma_wait3A_474 : memref<4096x1024xf32, #tpu.memory_space<hbm>>) dst(%arg11 : memref<8x1024xf32, #tpu.memory_space<vmem>>)
      %mul3A_475 = arith.constant 8 : i32
      %mul3A_476 = arith.muli %sub3A_459, %mul3A_475 : i32
      %add3A_477 = arith.addi %mul3A_32, %mul3A_476 : i32
      %dma_wait3A_478 = arith.constant 0 : i32
      %dma_wait3A_479 = tpu.memref_slice %arg4[%add3A_477, %dma_wait3A_478] : memref<4096x1024xf32, #tpu.memory_space<hbm>> -> memref<8x1024xf32, #tpu.memory_space<hbm>>
      %dma_wait3A_480 = arith.constant 0 : i32
      %dma_wait3A_481 = tpu.memref_slice %arg4[%add3A_477, %dma_wait3A_480] : memref<4096x1024xf32, #tpu.memory_space<hbm>> -> memref<8x1024xf32, #tpu.memory_space<hbm>>
      tpu.wait_dma2 semaphore(%arg21 : memref<!tpu.dma_semaphore, #tpu.memory_space<semaphore_mem>>) src(%dma_wait3A_481 : memref<8x1024xf32, #tpu.memory_space<hbm>>) dst(%arg15 : memref<8x1024xf32, #tpu.memory_space<vmem>>)
      %scan3A_482 = arith.constant 0 : i32
      %scan3A_483 = arith.constant 0 : i32
      %scan3A_484 = arith.constant 8 : i32
      %scan3A_485 = arith.addi %scan3A_483, %scan3A_484 : i32
      %scan3A_486 = arith.constant 1 : i32
      scf.for %scan3A_569 = %scan3A_483 to %scan3A_485 step %scan3A_486  : i32 {
        %parallel_loop3A = arith.constant 0 : i32
        %parallel_loop3A_570 = arith.constant 64 : i32
        %parallel_loop3A_571 = arith.constant 1 : i32
        scf.for %parallel_loop3A_572 = %parallel_loop3A to %parallel_loop3A_570 step %parallel_loop3A_571  : i32 {
          %parallel_loop3A_573 = arith.constant 16 : i32
          %parallel_loop3A_574 = arith.muli %parallel_loop3A_572, %parallel_loop3A_573 : i32
          %parallel_loop3A_575 = arith.constant 16 : i32
          %parallel_loop3A_576 = arith.muli %parallel_loop3A_572, %parallel_loop3A_575 : i32
          %parallel_loop3A_577 = arith.constant 1024 : i32
          %parallel_loop3A_578 = arith.addi %parallel_loop3A_577, %parallel_loop3A_576 : i32
          %parallel_loop3A_579 = arith.index_cast %scan3A_569 : i32 to index
          %parallel_loop3A_580 = arith.index_cast %parallel_loop3A_574 : i32 to index
          %parallel_loop3A_581 = tpu.vector_load %arg15[%parallel_loop3A_579, %parallel_loop3A_580] {strides = array<i32>} : memref<8x1024xf32, #tpu.memory_space<vmem>>, vector<1x16xf32>,
          %parallel_loop3A_582 = vector.shape_cast %parallel_loop3A_581 : vector<1x16xf32> to vector<16xf32>
          %parallel_loop3A_583 = arith.index_cast %scan3A_569 : i32 to index
          %parallel_loop3A_584 = arith.index_cast %parallel_loop3A_574 : i32 to index
          %parallel_loop3A_585 = tpu.vector_load %arg7[%parallel_loop3A_583, %parallel_loop3A_584] {strides = array<i32>} : memref<8x2048xf32, #tpu.memory_space<vmem>>, vector<1x16xf32>,
          %parallel_loop3A_586 = vector.shape_cast %parallel_loop3A_585 : vector<1x16xf32> to vector<16xf32>
          %parallel_loop3A_587 = vector.shape_cast %parallel_loop3A_582 : vector<16xf32> to vector<1x16xf32>
          tpu.vector_store %arg7[%parallel_loop3A_583, %parallel_loop3A_584], %parallel_loop3A_587 {add = true, strides = array<i32>} : memref<8x2048xf32, #tpu.memory_space<vmem>>, vector<1x16xf32>,
          %parallel_loop3A_588 = arith.index_cast %scan3A_569 : i32 to index
          %parallel_loop3A_589 = arith.index_cast %parallel_loop3A_574 : i32 to index
          %parallel_loop3A_590 = tpu.vector_load %arg11[%parallel_loop3A_588, %parallel_loop3A_589] {strides = array<i32>} : memref<8x1024xf32, #tpu.memory_space<vmem>>, vector<1x16xf32>,
          %parallel_loop3A_591 = vector.shape_cast %parallel_loop3A_590 : vector<1x16xf32> to vector<16xf32>
          %parallel_loop3A_592 = arith.index_cast %scan3A_569 : i32 to index
          %parallel_loop3A_593 = arith.index_cast %parallel_loop3A_578 : i32 to index
          %parallel_loop3A_594 = tpu.vector_load %arg7[%parallel_loop3A_592, %parallel_loop3A_593] {strides = array<i32>} : memref<8x2048xf32, #tpu.memory_space<vmem>>, vector<1x16xf32>,
          %parallel_loop3A_595 = vector.shape_cast %parallel_loop3A_594 : vector<1x16xf32> to vector<16xf32>
          %parallel_loop3A_596 = vector.shape_cast %parallel_loop3A_591 : vector<16xf32> to vector<1x16xf32>
          tpu.vector_store %arg7[%parallel_loop3A_592, %parallel_loop3A_593], %parallel_loop3A_596 {add = true, strides = array<i32>} : memref<8x2048xf32, #tpu.memory_space<vmem>>, vector<1x16xf32>,
        } {sc.loop_unroll_factor = 4 : i64, sc.parallel_access}
      }
      %scan3A_487 = arith.constant 8 : i32
      %dma_start3A_488 = arith.constant 0 : i32
      %dma_start3A_489 = tpu.memref_slice %arg5[%select_n3A, %add3A_462, %dma_start3A_488] : memref<4x2048x2048xf32, #tpu.memory_space<hbm>> -> memref<1x8x2048xf32, #tpu.memory_space<hbm>>
      %dma_start3A_490 = tpu.memref_squeeze %dma_start3A_489 : memref<1x8x2048xf32, #tpu.memory_space<hbm>> -> memref<8x2048xf32, #tpu.memory_space<hbm>>
      %dma_start3A_491 = arith.constant 0 : i32
      %dma_start3A_492 = tpu.memref_slice %arg5[%select_n3A, %add3A_462, %dma_start3A_491] : memref<4x2048x2048xf32, #tpu.memory_space<hbm>> -> memref<1x8x2048xf32, #tpu.memory_space<hbm>>
      %dma_start3A_493 = tpu.memref_squeeze %dma_start3A_492 : memref<1x8x2048xf32, #tpu.memory_space<hbm>> -> memref<8x2048xf32, #tpu.memory_space<hbm>>
      tpu.enqueue_dma source(%arg7 : memref<8x2048xf32, #tpu.memory_space<vmem>>) target(%dma_start3A_493 : memref<8x2048xf32, #tpu.memory_space<hbm>>) target_semaphore(%arg23 : memref<!tpu.dma_semaphore, #tpu.memory_space<semaphore_mem>>)
      %mul3A_494 = arith.constant 4 : i32
      %mul3A_495 = arith.muli %mul3A_494, %scan3A_268 : i32
      %add3A_496 = arith.constant 3 : i32
      %add3A_497 = arith.addi %mul3A_495, %add3A_496 : i32
      %sub3A_498 = arith.constant 4 : i32
      %sub3A_499 = arith.subi %add3A_497, %sub3A_498 : i32
      %mul3A_500 = arith.constant 8 : i32
      %mul3A_501 = arith.muli %sub3A_499, %mul3A_500 : i32
      %add3A_502 = arith.addi %mul3A_32, %mul3A_501 : i32
      %dma_wait3A_503 = arith.constant 0 : i32
      %dma_wait3A_504 = tpu.memref_slice %arg5[%select_n3A, %add3A_502, %dma_wait3A_503] : memref<4x2048x2048xf32, #tpu.memory_space<hbm>> -> memref<1x8x2048xf32, #tpu.memory_space<hbm>>
      %dma_wait3A_505 = tpu.memref_squeeze %dma_wait3A_504 : memref<1x8x2048xf32, #tpu.memory_space<hbm>> -> memref<8x2048xf32, #tpu.memory_space<hbm>>
      %dma_wait3A_506 = arith.constant 0 : i32
      %dma_wait3A_507 = tpu.memref_slice %arg5[%select_n3A, %add3A_502, %dma_wait3A_506] : memref<4x2048x2048xf32, #tpu.memory_space<hbm>> -> memref<1x8x2048xf32, #tpu.memory_space<hbm>>
      %dma_wait3A_508 = tpu.memref_squeeze %dma_wait3A_507 : memref<1x8x2048xf32, #tpu.memory_space<hbm>> -> memref<8x2048xf32, #tpu.memory_space<hbm>>
      tpu.wait_dma2 semaphore(%arg26 : memref<!tpu.dma_semaphore, #tpu.memory_space<semaphore_mem>>) src(%arg10 : memref<8x2048xf32, #tpu.memory_space<vmem>>) dst(%dma_wait3A_508 : memref<8x2048xf32, #tpu.memory_space<hbm>>)
      %mul3A_509 = arith.constant 8 : i32
      %mul3A_510 = arith.muli %add3A_497, %mul3A_509 : i32
      %add3A_511 = arith.addi %mul3A_32, %mul3A_510 : i32
      %dma_start3A_512 = arith.constant 0 : i32
      %dma_start3A_513 = tpu.memref_slice %arg2[%select_n3A, %add3A_511, %dma_start3A_512] : memref<4x2048x2048xf32, #tpu.memory_space<hbm>> -> memref<1x8x2048xf32, #tpu.memory_space<hbm>>
      %dma_start3A_514 = tpu.memref_squeeze %dma_start3A_513 : memref<1x8x2048xf32, #tpu.memory_space<hbm>> -> memref<8x2048xf32, #tpu.memory_space<hbm>>
      %dma_start3A_515 = arith.constant 0 : i32
      %dma_start3A_516 = tpu.memref_slice %arg2[%select_n3A, %add3A_511, %dma_start3A_515] : memref<4x2048x2048xf32, #tpu.memory_space<hbm>> -> memref<1x8x2048xf32, #tpu.memory_space<hbm>>
      %dma_start3A_517 = tpu.memref_squeeze %dma_start3A_516 : memref<1x8x2048xf32, #tpu.memory_space<hbm>> -> memref<8x2048xf32, #tpu.memory_space<hbm>>
      tpu.enqueue_dma source(%dma_start3A_517 : memref<8x2048xf32, #tpu.memory_space<hbm>>) target(%arg10 : memref<8x2048xf32, #tpu.memory_space<vmem>>) target_semaphore(%arg20 : memref<!tpu.dma_semaphore, #tpu.memory_space<semaphore_mem>>)
      %mul3A_518 = arith.constant 8 : i32
      %mul3A_519 = arith.muli %add3A_497, %mul3A_518 : i32
      %dma_start3A_520 = tpu.memref_slice %arg6[%mul3A_519] : memref<256xi32, #tpu.memory_space<vmem>> -> memref<8xi32, #tpu.memory_space<vmem>>
      %dma_start3A_521 = arith.constant 0 : i32
      %dma_start3A_522 = arith.constant 0 : i32
      %dma_start3A_523 = tpu.memref_slice %arg4[%dma_start3A_521, %dma_start3A_522] : memref<4096x1024xf32, #tpu.memory_space<hbm>> -> memref<4096x1024xf32, #tpu.memory_space<hbm>>
      tpu.enqueue_indirect_dma source(%dma_start3A_523 : memref<4096x1024xf32, #tpu.memory_space<hbm>>) target(%arg14 : memref<8x1024xf32, #tpu.memory_space<vmem>>) offsets(%dma_start3A_520 : memref<8xi32, #tpu.memory_space<vmem>>) semaphore(%arg20 : memref<!tpu.dma_semaphore, #tpu.memory_space<semaphore_mem>>)
      %sub3A_524 = arith.constant 1 : i32
      %sub3A_525 = arith.subi %add3A_497, %sub3A_524 : i32
      %mul3A_526 = arith.constant 8 : i32
      %mul3A_527 = arith.muli %sub3A_525, %mul3A_526 : i32
      %add3A_528 = arith.addi %mul3A_32, %mul3A_527 : i32
      %dma_start3A_529 = arith.constant 0 : i32
      %dma_start3A_530 = tpu.memref_slice %arg4[%add3A_528, %dma_start3A_529] : memref<4096x1024xf32, #tpu.memory_space<hbm>> -> memref<8x1024xf32, #tpu.memory_space<hbm>>
      %dma_start3A_531 = arith.constant 0 : i32
      %dma_start3A_532 = tpu.memref_slice %arg4[%add3A_528, %dma_start3A_531] : memref<4096x1024xf32, #tpu.memory_space<hbm>> -> memref<8x1024xf32, #tpu.memory_space<hbm>>
      tpu.enqueue_dma source(%dma_start3A_532 : memref<8x1024xf32, #tpu.memory_space<hbm>>) target(%arg15 : memref<8x1024xf32, #tpu.memory_space<vmem>>) target_semaphore(%arg21 : memref<!tpu.dma_semaphore, #tpu.memory_space<semaphore_mem>>)
      %sub3A_533 = arith.constant 2 : i32
      %sub3A_534 = arith.subi %add3A_497, %sub3A_533 : i32
      %mul3A_535 = arith.constant 8 : i32
      %mul3A_536 = arith.muli %sub3A_534, %mul3A_535 : i32
      %add3A_537 = arith.addi %mul3A_32, %mul3A_536 : i32
      %dma_wait3A_538 = arith.constant 0 : i32
      %dma_wait3A_539 = tpu.memref_slice %arg2[%select_n3A, %add3A_537, %dma_wait3A_538] : memref<4x2048x2048xf32, #tpu.memory_space<hbm>> -> memref<1x8x2048xf32, #tpu.memory_space<hbm>>
      %dma_wait3A_540 = tpu.memref_squeeze %dma_wait3A_539 : memref<1x8x2048xf32, #tpu.memory_space<hbm>> -> memref<8x2048xf32, #tpu.memory_space<hbm>>
      %dma_wait3A_541 = arith.constant 0 : i32
      %dma_wait3A_542 = tpu.memref_slice %arg2[%select_n3A, %add3A_537, %dma_wait3A_541] : memref<4x2048x2048xf32, #tpu.memory_space<hbm>> -> memref<1x8x2048xf32, #tpu.memory_space<hbm>>
      %dma_wait3A_543 = tpu.memref_squeeze %dma_wait3A_542 : memref<1x8x2048xf32, #tpu.memory_space<hbm>> -> memref<8x2048xf32, #tpu.memory_space<hbm>>
      tpu.wait_dma2 semaphore(%arg18 : memref<!tpu.dma_semaphore, #tpu.memory_space<semaphore_mem>>) src(%dma_wait3A_543 : memref<8x2048xf32, #tpu.memory_space<hbm>>) dst(%arg8 : memref<8x2048xf32, #tpu.memory_space<vmem>>)
      %mul3A_544 = arith.constant 8 : i32
      %mul3A_545 = arith.muli %sub3A_534, %mul3A_544 : i32
      %dma_wait3A_546 = tpu.memref_slice %arg6[%mul3A_545] : memref<256xi32, #tpu.memory_space<vmem>> -> memref<8xi32, #tpu.memory_space<vmem>>
      %dma_wait3A_547 = arith.constant 0 : i32
      %dma_wait3A_548 = arith.constant 0 : i32
      %dma_wait3A_549 = tpu.memref_slice %arg4[%dma_wait3A_547, %dma_wait3A_548] : memref<4096x1024xf32, #tpu.memory_space<hbm>> -> memref<4096x1024xf32, #tpu.memory_space<hbm>>
      tpu.wait_indirect_dma semaphore(%arg18 : memref<!tpu.dma_semaphore, #tpu.memory_space<semaphore_mem>>) src(%dma_wait3A_549 : memref<4096x1024xf32, #tpu.memory_space<hbm>>) dst(%arg12 : memref<8x1024xf32, #tpu.memory_space<vmem>>)
      %mul3A_550 = arith.constant 8 : i32
      %mul3A_551 = arith.muli %sub3A_534, %mul3A_550 : i32
      %add3A_552 = arith.addi %mul3A_32, %mul3A_551 : i32
      %dma_wait3A_553 = arith.constant 0 : i32
      %dma_wait3A_554 = tpu.memref_slice %arg4[%add3A_552, %dma_wait3A_553] : memref<4096x1024xf32, #tpu.memory_space<hbm>> -> memref<8x1024xf32, #tpu.memory_space<hbm>>
      %dma_wait3A_555 = arith.constant 0 : i32
      %dma_wait3A_556 = tpu.memref_slice %arg4[%add3A_552, %dma_wait3A_555] : memref<4096x1024xf32, #tpu.memory_space<hbm>> -> memref<8x1024xf32, #tpu.memory_space<hbm>>
      tpu.wait_dma2 semaphore(%arg22 : memref<!tpu.dma_semaphore, #tpu.memory_space<semaphore_mem>>) src(%dma_wait3A_556 : memref<8x1024xf32, #tpu.memory_space<hbm>>) dst(%arg16 : memref<8x1024xf32, #tpu.memory_space<vmem>>)
      %scan3A_557 = arith.constant 0 : i32
      %scan3A_558 = arith.constant 0 : i32
      %scan3A_559 = arith.constant 8 : i32
      %scan3A_560 = arith.addi %scan3A_558, %scan3A_559 : i32
      %scan3A_561 = arith.constant 1 : i32
      scf.for %scan3A_569 = %scan3A_558 to %scan3A_560 step %scan3A_561  : i32 {
        %parallel_loop3A = arith.constant 0 : i32
        %parallel_loop3A_570 = arith.constant 64 : i32
        %parallel_loop3A_571 = arith.constant 1 : i32
        scf.for %parallel_loop3A_572 = %parallel_loop3A to %parallel_loop3A_570 step %parallel_loop3A_571  : i32 {
          %parallel_loop3A_573 = arith.constant 16 : i32
          %parallel_loop3A_574 = arith.muli %parallel_loop3A_572, %parallel_loop3A_573 : i32
          %parallel_loop3A_575 = arith.constant 16 : i32
          %parallel_loop3A_576 = arith.muli %parallel_loop3A_572, %parallel_loop3A_575 : i32
          %parallel_loop3A_577 = arith.constant 1024 : i32
          %parallel_loop3A_578 = arith.addi %parallel_loop3A_577, %parallel_loop3A_576 : i32
          %parallel_loop3A_579 = arith.index_cast %scan3A_569 : i32 to index
          %parallel_loop3A_580 = arith.index_cast %parallel_loop3A_574 : i32 to index
          %parallel_loop3A_581 = tpu.vector_load %arg16[%parallel_loop3A_579, %parallel_loop3A_580] {strides = array<i32>} : memref<8x1024xf32, #tpu.memory_space<vmem>>, vector<1x16xf32>,
          %parallel_loop3A_582 = vector.shape_cast %parallel_loop3A_581 : vector<1x16xf32> to vector<16xf32>
          %parallel_loop3A_583 = arith.index_cast %scan3A_569 : i32 to index
          %parallel_loop3A_584 = arith.index_cast %parallel_loop3A_574 : i32 to index
          %parallel_loop3A_585 = tpu.vector_load %arg8[%parallel_loop3A_583, %parallel_loop3A_584] {strides = array<i32>} : memref<8x2048xf32, #tpu.memory_space<vmem>>, vector<1x16xf32>,
          %parallel_loop3A_586 = vector.shape_cast %parallel_loop3A_585 : vector<1x16xf32> to vector<16xf32>
          %parallel_loop3A_587 = vector.shape_cast %parallel_loop3A_582 : vector<16xf32> to vector<1x16xf32>
          tpu.vector_store %arg8[%parallel_loop3A_583, %parallel_loop3A_584], %parallel_loop3A_587 {add = true, strides = array<i32>} : memref<8x2048xf32, #tpu.memory_space<vmem>>, vector<1x16xf32>,
          %parallel_loop3A_588 = arith.index_cast %scan3A_569 : i32 to index
          %parallel_loop3A_589 = arith.index_cast %parallel_loop3A_574 : i32 to index
          %parallel_loop3A_590 = tpu.vector_load %arg12[%parallel_loop3A_588, %parallel_loop3A_589] {strides = array<i32>} : memref<8x1024xf32, #tpu.memory_space<vmem>>, vector<1x16xf32>,
          %parallel_loop3A_591 = vector.shape_cast %parallel_loop3A_590 : vector<1x16xf32> to vector<16xf32>
          %parallel_loop3A_592 = arith.index_cast %scan3A_569 : i32 to index
          %parallel_loop3A_593 = arith.index_cast %parallel_loop3A_578 : i32 to index
          %parallel_loop3A_594 = tpu.vector_load %arg8[%parallel_loop3A_592, %parallel_loop3A_593] {strides = array<i32>} : memref<8x2048xf32, #tpu.memory_space<vmem>>, vector<1x16xf32>,
          %parallel_loop3A_595 = vector.shape_cast %parallel_loop3A_594 : vector<1x16xf32> to vector<16xf32>
          %parallel_loop3A_596 = vector.shape_cast %parallel_loop3A_591 : vector<16xf32> to vector<1x16xf32>
          tpu.vector_store %arg8[%parallel_loop3A_592, %parallel_loop3A_593], %parallel_loop3A_596 {add = true, strides = array<i32>} : memref<8x2048xf32, #tpu.memory_space<vmem>>, vector<1x16xf32>,
        } {sc.loop_unroll_factor = 4 : i64, sc.parallel_access}
      }
      %scan3A_562 = arith.constant 8 : i32
      %dma_start3A_563 = arith.constant 0 : i32
      %dma_start3A_564 = tpu.memref_slice %arg5[%select_n3A, %add3A_537, %dma_start3A_563] : memref<4x2048x2048xf32, #tpu.memory_space<hbm>> -> memref<1x8x2048xf32, #tpu.memory_space<hbm>>
      %dma_start3A_565 = tpu.memref_squeeze %dma_start3A_564 : memref<1x8x2048xf32, #tpu.memory_space<hbm>> -> memref<8x2048xf32, #tpu.memory_space<hbm>>
      %dma_start3A_566 = arith.constant 0 : i32
      %dma_start3A_567 = tpu.memref_slice %arg5[%select_n3A, %add3A_537, %dma_start3A_566] : memref<4x2048x2048xf32, #tpu.memory_space<hbm>> -> memref<1x8x2048xf32, #tpu.memory_space<hbm>>
      %dma_start3A_568 = tpu.memref_squeeze %dma_start3A_567 : memref<1x8x2048xf32, #tpu.memory_space<hbm>> -> memref<8x2048xf32, #tpu.memory_space<hbm>>
      tpu.enqueue_dma source(%arg8 : memref<8x2048xf32, #tpu.memory_space<vmem>>) target(%dma_start3A_568 : memref<8x2048xf32, #tpu.memory_space<hbm>>) target_semaphore(%arg24 : memref<!tpu.dma_semaphore, #tpu.memory_space<semaphore_mem>>)
    }
    %scan3A_167 = arith.constant 7 : i32
    %add3A_168 = arith.constant 248 : i32
    %add3A_169 = arith.addi %mul3A_32, %add3A_168 : i32
    %dma_start3A_170 = arith.constant 0 : i32
    %dma_start3A_171 = tpu.memref_slice %arg4[%add3A_169, %dma_start3A_170] : memref<4096x1024xf32, #tpu.memory_space<hbm>> -> memref<8x1024xf32, #tpu.memory_space<hbm>>
    %dma_start3A_172 = arith.constant 0 : i32
    %dma_start3A_173 = tpu.memref_slice %arg4[%add3A_169, %dma_start3A_172] : memref<4096x1024xf32, #tpu.memory_space<hbm>> -> memref<8x1024xf32, #tpu.memory_space<hbm>>
    tpu.enqueue_dma source(%dma_start3A_173 : memref<8x1024xf32, #tpu.memory_space<hbm>>) target(%arg16 : memref<8x1024xf32, #tpu.memory_space<vmem>>) target_semaphore(%arg22 : memref<!tpu.dma_semaphore, #tpu.memory_space<semaphore_mem>>)
    %add3A_174 = arith.constant 240 : i32
    %add3A_175 = arith.addi %mul3A_32, %add3A_174 : i32
    %dma_wait3A_176 = arith.constant 0 : i32
    %dma_wait3A_177 = tpu.memref_slice %arg2[%select_n3A, %add3A_175, %dma_wait3A_176] : memref<4x2048x2048xf32, #tpu.memory_space<hbm>> -> memref<1x8x2048xf32, #tpu.memory_space<hbm>>
    %dma_wait3A_178 = tpu.memref_squeeze %dma_wait3A_177 : memref<1x8x2048xf32, #tpu.memory_space<hbm>> -> memref<8x2048xf32, #tpu.memory_space<hbm>>
    %dma_wait3A_179 = arith.constant 0 : i32
    %dma_wait3A_180 = tpu.memref_slice %arg2[%select_n3A, %add3A_175, %dma_wait3A_179] : memref<4x2048x2048xf32, #tpu.memory_space<hbm>> -> memref<1x8x2048xf32, #tpu.memory_space<hbm>>
    %dma_wait3A_181 = tpu.memref_squeeze %dma_wait3A_180 : memref<1x8x2048xf32, #tpu.memory_space<hbm>> -> memref<8x2048xf32, #tpu.memory_space<hbm>>
    tpu.wait_dma2 semaphore(%arg19 : memref<!tpu.dma_semaphore, #tpu.memory_space<semaphore_mem>>) src(%dma_wait3A_181 : memref<8x2048xf32, #tpu.memory_space<hbm>>) dst(%arg9 : memref<8x2048xf32, #tpu.memory_space<vmem>>)
    %dma_wait3A_182 = arith.constant 240 : i32
    %dma_wait3A_183 = tpu.memref_slice %arg6[%dma_wait3A_182] : memref<256xi32, #tpu.memory_space<vmem>> -> memref<8xi32, #tpu.memory_space<vmem>>
    %dma_wait3A_184 = arith.constant 0 : i32
    %dma_wait3A_185 = arith.constant 0 : i32
    %dma_wait3A_186 = tpu.memref_slice %arg4[%dma_wait3A_184, %dma_wait3A_185] : memref<4096x1024xf32, #tpu.memory_space<hbm>> -> memref<4096x1024xf32, #tpu.memory_space<hbm>>
    tpu.wait_indirect_dma semaphore(%arg19 : memref<!tpu.dma_semaphore, #tpu.memory_space<semaphore_mem>>) src(%dma_wait3A_186 : memref<4096x1024xf32, #tpu.memory_space<hbm>>) dst(%arg13 : memref<8x1024xf32, #tpu.memory_space<vmem>>)
    %add3A_187 = arith.constant 240 : i32
    %add3A_188 = arith.addi %mul3A_32, %add3A_187 : i32
    %dma_wait3A_189 = arith.constant 0 : i32
    %dma_wait3A_190 = tpu.memref_slice %arg4[%add3A_188, %dma_wait3A_189] : memref<4096x1024xf32, #tpu.memory_space<hbm>> -> memref<8x1024xf32, #tpu.memory_space<hbm>>
    %dma_wait3A_191 = arith.constant 0 : i32
    %dma_wait3A_192 = tpu.memref_slice %arg4[%add3A_188, %dma_wait3A_191] : memref<4096x1024xf32, #tpu.memory_space<hbm>> -> memref<8x1024xf32, #tpu.memory_space<hbm>>
    tpu.wait_dma2 semaphore(%arg21 : memref<!tpu.dma_semaphore, #tpu.memory_space<semaphore_mem>>) src(%dma_wait3A_192 : memref<8x1024xf32, #tpu.memory_space<hbm>>) dst(%arg15 : memref<8x1024xf32, #tpu.memory_space<vmem>>)
    %scan3A_193 = arith.constant 0 : i32
    %scan3A_194 = arith.constant 0 : i32
    %scan3A_195 = arith.constant 8 : i32
    %scan3A_196 = arith.addi %scan3A_194, %scan3A_195 : i32
    %scan3A_197 = arith.constant 1 : i32
    scf.for %scan3A_268 = %scan3A_194 to %scan3A_196 step %scan3A_197  : i32 {
      %parallel_loop3A = arith.constant 0 : i32
      %parallel_loop3A_269 = arith.constant 64 : i32
      %parallel_loop3A_270 = arith.constant 1 : i32
      scf.for %parallel_loop3A_271 = %parallel_loop3A to %parallel_loop3A_269 step %parallel_loop3A_270  : i32 {
        %parallel_loop3A_272 = arith.constant 16 : i32
        %parallel_loop3A_273 = arith.muli %parallel_loop3A_271, %parallel_loop3A_272 : i32
        %parallel_loop3A_274 = arith.constant 16 : i32
        %parallel_loop3A_275 = arith.muli %parallel_loop3A_271, %parallel_loop3A_274 : i32
        %parallel_loop3A_276 = arith.constant 1024 : i32
        %parallel_loop3A_277 = arith.addi %parallel_loop3A_276, %parallel_loop3A_275 : i32
        %parallel_loop3A_278 = arith.index_cast %scan3A_268 : i32 to index
        %parallel_loop3A_279 = arith.index_cast %parallel_loop3A_273 : i32 to index
        %parallel_loop3A_280 = tpu.vector_load %arg15[%parallel_loop3A_278, %parallel_loop3A_279] {strides = array<i32>} : memref<8x1024xf32, #tpu.memory_space<vmem>>, vector<1x16xf32>,
        %parallel_loop3A_281 = vector.shape_cast %parallel_loop3A_280 : vector<1x16xf32> to vector<16xf32>
        %parallel_loop3A_282 = arith.index_cast %scan3A_268 : i32 to index
        %parallel_loop3A_283 = arith.index_cast %parallel_loop3A_273 : i32 to index
        %parallel_loop3A_284 = tpu.vector_load %arg9[%parallel_loop3A_282, %parallel_loop3A_283] {strides = array<i32>} : memref<8x2048xf32, #tpu.memory_space<vmem>>, vector<1x16xf32>,
        %parallel_loop3A_285 = vector.shape_cast %parallel_loop3A_284 : vector<1x16xf32> to vector<16xf32>
        %parallel_loop3A_286 = vector.shape_cast %parallel_loop3A_281 : vector<16xf32> to vector<1x16xf32>
        tpu.vector_store %arg9[%parallel_loop3A_282, %parallel_loop3A_283], %parallel_loop3A_286 {add = true, strides = array<i32>} : memref<8x2048xf32, #tpu.memory_space<vmem>>, vector<1x16xf32>,
        %parallel_loop3A_287 = arith.index_cast %scan3A_268 : i32 to index
        %parallel_loop3A_288 = arith.index_cast %parallel_loop3A_273 : i32 to index
        %parallel_loop3A_289 = tpu.vector_load %arg13[%parallel_loop3A_287, %parallel_loop3A_288] {strides = array<i32>} : memref<8x1024xf32, #tpu.memory_space<vmem>>, vector<1x16xf32>,
        %parallel_loop3A_290 = vector.shape_cast %parallel_loop3A_289 : vector<1x16xf32> to vector<16xf32>
        %parallel_loop3A_291 = arith.index_cast %scan3A_268 : i32 to index
        %parallel_loop3A_292 = arith.index_cast %parallel_loop3A_277 : i32 to index
        %parallel_loop3A_293 = tpu.vector_load %arg9[%parallel_loop3A_291, %parallel_loop3A_292] {strides = array<i32>} : memref<8x2048xf32, #tpu.memory_space<vmem>>, vector<1x16xf32>,
        %parallel_loop3A_294 = vector.shape_cast %parallel_loop3A_293 : vector<1x16xf32> to vector<16xf32>
        %parallel_loop3A_295 = vector.shape_cast %parallel_loop3A_290 : vector<16xf32> to vector<1x16xf32>
        tpu.vector_store %arg9[%parallel_loop3A_291, %parallel_loop3A_292], %parallel_loop3A_295 {add = true, strides = array<i32>} : memref<8x2048xf32, #tpu.memory_space<vmem>>, vector<1x16xf32>,
      } {sc.loop_unroll_factor = 4 : i64, sc.parallel_access}
    }
    %scan3A_198 = arith.constant 8 : i32
    %dma_start3A_199 = arith.constant 0 : i32
    %dma_start3A_200 = tpu.memref_slice %arg5[%select_n3A, %add3A_175, %dma_start3A_199] : memref<4x2048x2048xf32, #tpu.memory_space<hbm>> -> memref<1x8x2048xf32, #tpu.memory_space<hbm>>
    %dma_start3A_201 = tpu.memref_squeeze %dma_start3A_200 : memref<1x8x2048xf32, #tpu.memory_space<hbm>> -> memref<8x2048xf32, #tpu.memory_space<hbm>>
    %dma_start3A_202 = arith.constant 0 : i32
    %dma_start3A_203 = tpu.memref_slice %arg5[%select_n3A, %add3A_175, %dma_start3A_202] : memref<4x2048x2048xf32, #tpu.memory_space<hbm>> -> memref<1x8x2048xf32, #tpu.memory_space<hbm>>
    %dma_start3A_204 = tpu.memref_squeeze %dma_start3A_203 : memref<1x8x2048xf32, #tpu.memory_space<hbm>> -> memref<8x2048xf32, #tpu.memory_space<hbm>>
    tpu.enqueue_dma source(%arg9 : memref<8x2048xf32, #tpu.memory_space<vmem>>) target(%dma_start3A_204 : memref<8x2048xf32, #tpu.memory_space<hbm>>) target_semaphore(%arg25 : memref<!tpu.dma_semaphore, #tpu.memory_space<semaphore_mem>>)
    %add3A_205 = arith.constant 248 : i32
    %add3A_206 = arith.addi %mul3A_32, %add3A_205 : i32
    %dma_wait3A_207 = arith.constant 0 : i32
    %dma_wait3A_208 = tpu.memref_slice %arg2[%select_n3A, %add3A_206, %dma_wait3A_207] : memref<4x2048x2048xf32, #tpu.memory_space<hbm>> -> memref<1x8x2048xf32, #tpu.memory_space<hbm>>
    %dma_wait3A_209 = tpu.memref_squeeze %dma_wait3A_208 : memref<1x8x2048xf32, #tpu.memory_space<hbm>> -> memref<8x2048xf32, #tpu.memory_space<hbm>>
    %dma_wait3A_210 = arith.constant 0 : i32
    %dma_wait3A_211 = tpu.memref_slice %arg2[%select_n3A, %add3A_206, %dma_wait3A_210] : memref<4x2048x2048xf32, #tpu.memory_space<hbm>> -> memref<1x8x2048xf32, #tpu.memory_space<hbm>>
    %dma_wait3A_212 = tpu.memref_squeeze %dma_wait3A_211 : memref<1x8x2048xf32, #tpu.memory_space<hbm>> -> memref<8x2048xf32, #tpu.memory_space<hbm>>
    tpu.wait_dma2 semaphore(%arg20 : memref<!tpu.dma_semaphore, #tpu.memory_space<semaphore_mem>>) src(%dma_wait3A_212 : memref<8x2048xf32, #tpu.memory_space<hbm>>) dst(%arg10 : memref<8x2048xf32, #tpu.memory_space<vmem>>)
    %dma_wait3A_213 = arith.constant 248 : i32
    %dma_wait3A_214 = tpu.memref_slice %arg6[%dma_wait3A_213] : memref<256xi32, #tpu.memory_space<vmem>> -> memref<8xi32, #tpu.memory_space<vmem>>
    %dma_wait3A_215 = arith.constant 0 : i32
    %dma_wait3A_216 = arith.constant 0 : i32
    %dma_wait3A_217 = tpu.memref_slice %arg4[%dma_wait3A_215, %dma_wait3A_216] : memref<4096x1024xf32, #tpu.memory_space<hbm>> -> memref<4096x1024xf32, #tpu.memory_space<hbm>>
    tpu.wait_indirect_dma semaphore(%arg20 : memref<!tpu.dma_semaphore, #tpu.memory_space<semaphore_mem>>) src(%dma_wait3A_217 : memref<4096x1024xf32, #tpu.memory_space<hbm>>) dst(%arg14 : memref<8x1024xf32, #tpu.memory_space<vmem>>)
    %add3A_218 = arith.constant 248 : i32
    %add3A_219 = arith.addi %mul3A_32, %add3A_218 : i32
    %dma_wait3A_220 = arith.constant 0 : i32
    %dma_wait3A_221 = tpu.memref_slice %arg4[%add3A_219, %dma_wait3A_220] : memref<4096x1024xf32, #tpu.memory_space<hbm>> -> memref<8x1024xf32, #tpu.memory_space<hbm>>
    %dma_wait3A_222 = arith.constant 0 : i32
    %dma_wait3A_223 = tpu.memref_slice %arg4[%add3A_219, %dma_wait3A_222] : memref<4096x1024xf32, #tpu.memory_space<hbm>> -> memref<8x1024xf32, #tpu.memory_space<hbm>>
    tpu.wait_dma2 semaphore(%arg22 : memref<!tpu.dma_semaphore, #tpu.memory_space<semaphore_mem>>) src(%dma_wait3A_223 : memref<8x1024xf32, #tpu.memory_space<hbm>>) dst(%arg16 : memref<8x1024xf32, #tpu.memory_space<vmem>>)
    %scan3A_224 = arith.constant 0 : i32
    %scan3A_225 = arith.constant 0 : i32
    %scan3A_226 = arith.constant 8 : i32
    %scan3A_227 = arith.addi %scan3A_225, %scan3A_226 : i32
    %scan3A_228 = arith.constant 1 : i32
    scf.for %scan3A_268 = %scan3A_225 to %scan3A_227 step %scan3A_228  : i32 {
      %parallel_loop3A = arith.constant 0 : i32
      %parallel_loop3A_269 = arith.constant 64 : i32
      %parallel_loop3A_270 = arith.constant 1 : i32
      scf.for %parallel_loop3A_271 = %parallel_loop3A to %parallel_loop3A_269 step %parallel_loop3A_270  : i32 {
        %parallel_loop3A_272 = arith.constant 16 : i32
        %parallel_loop3A_273 = arith.muli %parallel_loop3A_271, %parallel_loop3A_272 : i32
        %parallel_loop3A_274 = arith.constant 16 : i32
        %parallel_loop3A_275 = arith.muli %parallel_loop3A_271, %parallel_loop3A_274 : i32
        %parallel_loop3A_276 = arith.constant 1024 : i32
        %parallel_loop3A_277 = arith.addi %parallel_loop3A_276, %parallel_loop3A_275 : i32
        %parallel_loop3A_278 = arith.index_cast %scan3A_268 : i32 to index
        %parallel_loop3A_279 = arith.index_cast %parallel_loop3A_273 : i32 to index
        %parallel_loop3A_280 = tpu.vector_load %arg16[%parallel_loop3A_278, %parallel_loop3A_279] {strides = array<i32>} : memref<8x1024xf32, #tpu.memory_space<vmem>>, vector<1x16xf32>,
        %parallel_loop3A_281 = vector.shape_cast %parallel_loop3A_280 : vector<1x16xf32> to vector<16xf32>
        %parallel_loop3A_282 = arith.index_cast %scan3A_268 : i32 to index
        %parallel_loop3A_283 = arith.index_cast %parallel_loop3A_273 : i32 to index
        %parallel_loop3A_284 = tpu.vector_load %arg10[%parallel_loop3A_282, %parallel_loop3A_283] {strides = array<i32>} : memref<8x2048xf32, #tpu.memory_space<vmem>>, vector<1x16xf32>,
        %parallel_loop3A_285 = vector.shape_cast %parallel_loop3A_284 : vector<1x16xf32> to vector<16xf32>
        %parallel_loop3A_286 = vector.shape_cast %parallel_loop3A_281 : vector<16xf32> to vector<1x16xf32>
        tpu.vector_store %arg10[%parallel_loop3A_282, %parallel_loop3A_283], %parallel_loop3A_286 {add = true, strides = array<i32>} : memref<8x2048xf32, #tpu.memory_space<vmem>>, vector<1x16xf32>,
        %parallel_loop3A_287 = arith.index_cast %scan3A_268 : i32 to index
        %parallel_loop3A_288 = arith.index_cast %parallel_loop3A_273 : i32 to index
        %parallel_loop3A_289 = tpu.vector_load %arg14[%parallel_loop3A_287, %parallel_loop3A_288] {strides = array<i32>} : memref<8x1024xf32, #tpu.memory_space<vmem>>, vector<1x16xf32>,
        %parallel_loop3A_290 = vector.shape_cast %parallel_loop3A_289 : vector<1x16xf32> to vector<16xf32>
        %parallel_loop3A_291 = arith.index_cast %scan3A_268 : i32 to index
        %parallel_loop3A_292 = arith.index_cast %parallel_loop3A_277 : i32 to index
        %parallel_loop3A_293 = tpu.vector_load %arg10[%parallel_loop3A_291, %parallel_loop3A_292] {strides = array<i32>} : memref<8x2048xf32, #tpu.memory_space<vmem>>, vector<1x16xf32>,
        %parallel_loop3A_294 = vector.shape_cast %parallel_loop3A_293 : vector<1x16xf32> to vector<16xf32>
        %parallel_loop3A_295 = vector.shape_cast %parallel_loop3A_290 : vector<16xf32> to vector<1x16xf32>
        tpu.vector_store %arg10[%parallel_loop3A_291, %parallel_loop3A_292], %parallel_loop3A_295 {add = true, strides = array<i32>} : memref<8x2048xf32, #tpu.memory_space<vmem>>, vector<1x16xf32>,
      } {sc.loop_unroll_factor = 4 : i64, sc.parallel_access}
    }
    %scan3A_229 = arith.constant 8 : i32
    %dma_start3A_230 = arith.constant 0 : i32
    %dma_start3A_231 = tpu.memref_slice %arg5[%select_n3A, %add3A_206, %dma_start3A_230] : memref<4x2048x2048xf32, #tpu.memory_space<hbm>> -> memref<1x8x2048xf32, #tpu.memory_space<hbm>>
    %dma_start3A_232 = tpu.memref_squeeze %dma_start3A_231 : memref<1x8x2048xf32, #tpu.memory_space<hbm>> -> memref<8x2048xf32, #tpu.memory_space<hbm>>
    %dma_start3A_233 = arith.constant 0 : i32
    %dma_start3A_234 = tpu.memref_slice %arg5[%select_n3A, %add3A_206, %dma_start3A_233] : memref<4x2048x2048xf32, #tpu.memory_space<hbm>> -> memref<1x8x2048xf32, #tpu.memory_space<hbm>>
    %dma_start3A_235 = tpu.memref_squeeze %dma_start3A_234 : memref<1x8x2048xf32, #tpu.memory_space<hbm>> -> memref<8x2048xf32, #tpu.memory_space<hbm>>
    tpu.enqueue_dma source(%arg10 : memref<8x2048xf32, #tpu.memory_space<vmem>>) target(%dma_start3A_235 : memref<8x2048xf32, #tpu.memory_space<hbm>>) target_semaphore(%arg26 : memref<!tpu.dma_semaphore, #tpu.memory_space<semaphore_mem>>)
    %add3A_236 = arith.constant 224 : i32
    %add3A_237 = arith.addi %mul3A_32, %add3A_236 : i32
    %dma_wait3A_238 = arith.constant 0 : i32
    %dma_wait3A_239 = tpu.memref_slice %arg5[%select_n3A, %add3A_237, %dma_wait3A_238] : memref<4x2048x2048xf32, #tpu.memory_space<hbm>> -> memref<1x8x2048xf32, #tpu.memory_space<hbm>>
    %dma_wait3A_240 = tpu.memref_squeeze %dma_wait3A_239 : memref<1x8x2048xf32, #tpu.memory_space<hbm>> -> memref<8x2048xf32, #tpu.memory_space<hbm>>
    %dma_wait3A_241 = arith.constant 0 : i32
    %dma_wait3A_242 = tpu.memref_slice %arg5[%select_n3A, %add3A_237, %dma_wait3A_241] : memref<4x2048x2048xf32, #tpu.memory_space<hbm>> -> memref<1x8x2048xf32, #tpu.memory_space<hbm>>
    %dma_wait3A_243 = tpu.memref_squeeze %dma_wait3A_242 : memref<1x8x2048xf32, #tpu.memory_space<hbm>> -> memref<8x2048xf32, #tpu.memory_space<hbm>>
    tpu.wait_dma2 semaphore(%arg23 : memref<!tpu.dma_semaphore, #tpu.memory_space<semaphore_mem>>) src(%arg7 : memref<8x2048xf32, #tpu.memory_space<vmem>>) dst(%dma_wait3A_243 : memref<8x2048xf32, #tpu.memory_space<hbm>>)
    %add3A_244 = arith.constant 232 : i32
    %add3A_245 = arith.addi %mul3A_32, %add3A_244 : i32
    %dma_wait3A_246 = arith.constant 0 : i32
    %dma_wait3A_247 = tpu.memref_slice %arg5[%select_n3A, %add3A_245, %dma_wait3A_246] : memref<4x2048x2048xf32, #tpu.memory_space<hbm>> -> memref<1x8x2048xf32, #tpu.memory_space<hbm>>
    %dma_wait3A_248 = tpu.memref_squeeze %dma_wait3A_247 : memref<1x8x2048xf32, #tpu.memory_space<hbm>> -> memref<8x2048xf32, #tpu.memory_space<hbm>>
    %dma_wait3A_249 = arith.constant 0 : i32
    %dma_wait3A_250 = tpu.memref_slice %arg5[%select_n3A, %add3A_245, %dma_wait3A_249] : memref<4x2048x2048xf32, #tpu.memory_space<hbm>> -> memref<1x8x2048xf32, #tpu.memory_space<hbm>>
    %dma_wait3A_251 = tpu.memref_squeeze %dma_wait3A_250 : memref<1x8x2048xf32, #tpu.memory_space<hbm>> -> memref<8x2048xf32, #tpu.memory_space<hbm>>
    tpu.wait_dma2 semaphore(%arg24 : memref<!tpu.dma_semaphore, #tpu.memory_space<semaphore_mem>>) src(%arg8 : memref<8x2048xf32, #tpu.memory_space<vmem>>) dst(%dma_wait3A_251 : memref<8x2048xf32, #tpu.memory_space<hbm>>)
    %add3A_252 = arith.constant 240 : i32
    %add3A_253 = arith.addi %mul3A_32, %add3A_252 : i32
    %dma_wait3A_254 = arith.constant 0 : i32
    %dma_wait3A_255 = tpu.memref_slice %arg5[%select_n3A, %add3A_253, %dma_wait3A_254] : memref<4x2048x2048xf32, #tpu.memory_space<hbm>> -> memref<1x8x2048xf32, #tpu.memory_space<hbm>>
    %dma_wait3A_256 = tpu.memref_squeeze %dma_wait3A_255 : memref<1x8x2048xf32, #tpu.memory_space<hbm>> -> memref<8x2048xf32, #tpu.memory_space<hbm>>
    %dma_wait3A_257 = arith.constant 0 : i32
    %dma_wait3A_258 = tpu.memref_slice %arg5[%select_n3A, %add3A_253, %dma_wait3A_257] : memref<4x2048x2048xf32, #tpu.memory_space<hbm>> -> memref<1x8x2048xf32, #tpu.memory_space<hbm>>
    %dma_wait3A_259 = tpu.memref_squeeze %dma_wait3A_258 : memref<1x8x2048xf32, #tpu.memory_space<hbm>> -> memref<8x2048xf32, #tpu.memory_space<hbm>>
    tpu.wait_dma2 semaphore(%arg25 : memref<!tpu.dma_semaphore, #tpu.memory_space<semaphore_mem>>) src(%arg9 : memref<8x2048xf32, #tpu.memory_space<vmem>>) dst(%dma_wait3A_259 : memref<8x2048xf32, #tpu.memory_space<hbm>>)
    %add3A_260 = arith.constant 248 : i32
    %add3A_261 = arith.addi %mul3A_32, %add3A_260 : i32
    %dma_wait3A_262 = arith.constant 0 : i32
    %dma_wait3A_263 = tpu.memref_slice %arg5[%select_n3A, %add3A_261, %dma_wait3A_262] : memref<4x2048x2048xf32, #tpu.memory_space<hbm>> -> memref<1x8x2048xf32, #tpu.memory_space<hbm>>
    %dma_wait3A_264 = tpu.memref_squeeze %dma_wait3A_263 : memref<1x8x2048xf32, #tpu.memory_space<hbm>> -> memref<8x2048xf32, #tpu.memory_space<hbm>>
    %dma_wait3A_265 = arith.constant 0 : i32
    %dma_wait3A_266 = tpu.memref_slice %arg5[%select_n3A, %add3A_261, %dma_wait3A_265] : memref<4x2048x2048xf32, #tpu.memory_space<hbm>> -> memref<1x8x2048xf32, #tpu.memory_space<hbm>>
    %dma_wait3A_267 = tpu.memref_squeeze %dma_wait3A_266 : memref<1x8x2048xf32, #tpu.memory_space<hbm>> -> memref<8x2048xf32, #tpu.memory_space<hbm>>
    tpu.wait_dma2 semaphore(%arg26 : memref<!tpu.dma_semaphore, #tpu.memory_space<semaphore_mem>>) src(%arg10 : memref<8x2048xf32, #tpu.memory_space<vmem>>) dst(%dma_wait3A_267 : memref<8x2048xf32, #tpu.memory_space<hbm>>)
    return
  }
}

</mosaic_0001>

<sc_bundles>
// kernel: _sc_call.3.cloned.1.call-start
scs
__scs_entry_jumppad:
0x0: {  	(pc) =	sbr.rel $0x88, $3  }
0x1: {  	(tag) =	ssettag $0x0;
	lr =	simm.s32 $0x1  }
0x2: {  	[smem:$0x3F9E] =	sst lr;
	_ =	strace $0xD0000000  }
0x3: {  	_ = 	snop  }
0x4: {  	_ = 	snop  }
0x5: {  	_ = 	snop  }
0x6: {  	_ = 	snop  }
0x7: {  	_ = 	snop  }
__scs_overlays_trampoline_lowered:
0x8: {  	[smem:$0x3FAD] =	sst s0  }
0x9: {  	[smem:$0x3FAE] =	sst s1  }
0xa: {  	[smem:$0x3FAF] =	sst s2  }
0xb: {  	[smem:$0x3FB0] =	sst s3  }
0xc: {  	[smem:$0x3FB1] =	sst s4  }
0xd: {  	[smem:$0x3FB2] =	sst s5  }
0xe: {  	[smem:$0x3FB3] =	sst s6  }
0xf: {  	[smem:$0x3FB4] =	sst s7  }
0x10: {  	[smem:$0x3FB5] =	sst s8  }
0x11: {  	[smem:$0x3FB6] =	sst s9;
	s0 =	simm.s32 @!p0 $0x0  }
0x12: {  	s1 =	sld [smem:$0x3F9C];
	s0 =	simm.s32 @p0 $0x1  }
0x13: {  	[smem:$0x3FB7] =	sst s0;
	s0 =	simm.s32 @!p1 $0x0  }
0x14: {  	s2 =	sld [smem:$0x3F9B];
	s0 =	simm.s32 @p1 $0x1  }
0x15: {  	[smem:$0x3FB8] =	sst s0;
	s0 =	simm.s32 @!p2 $0x0  }
0x16: {  	s3 =	sld [smem:$0x3FDB];
	s0 =	simm.s32 @p2 $0x1  }
0x17: {  	s4 =	simm.s32 $0x1BF5;
	[smem:$0x3FBA] =	sst s0  }
0x18: {  	s0 =	sld [smem:$0x3F9D];
	_ =	swait.ge [sflag:s4], $0x0  }
0x19: {  	s7 =	sld [smem:$0x3F9E]  }
0x1a: {  	s8 =	sadd.s32 $0xFFFFE003, lr  }
0x1b: {  	s9 =	sadd.s32 $0xFFFFFEF7, lr;
	s5 =	simm.s32 $0xFFFFFFFF;
	p2 =	slt.u32 s8, $0xFFFFF086  }
0x1c: {  	p1 =	slt.u32 s9, $0xF7A;
	s5 =	simm.s32 @!p2 $0x0  }
0x1d: {  	s5 =	simm.s32 @p1 $0x1;
	p0 =	seq.s32 s7, s2  }
0x1e: {  	s7 =	smul.u32 @!p0 $0xF7A, s2;
	p2 =	seq.s32 @!p0 s5, $0x0  }
0x1f: {  	s9 =	smul.u32 $0xF7A, s1;
	s8 =	simm.s32 @!p0 $0x1BF5;
	p2 =	por !p2, p0  }
0x20: {  	[sflag:s8] =	ssyncset.s32 @!p0 $0xFFFFF086;
	s6 =	sadd.s32 @!p0 s3, s7;
	s7 =	simm.s32 @!p0 $0x108  }
0x21: {  	s3 =	sadd.s32 s3, s9;
	s6 =	sadd.s32 @!p0 $0x88, s6;
	s7 =	simm.s32 @p2 $0x1082  }
0x22: {  	[simem:s7], [sflag:s8] =	dma.local @!p0 [hbm:s6], $0xF7A  }
0x23: {  	s9 =	sor.u32 $0xD0000000, s2;
	s6 =	simm.s32 $0x108;
	_ =	swait.ge @!p0 [sflag:s8], $0x0  }
0x24: {  	s3 =	sadd.s32 $0x88, s3;
	s6 =	simm.s32 @!p1 $0x1082;
	[sflag:s4] =	ssyncset.s32 $0xFFFFF086  }
0x25: {  	[simem:s6], [sflag:s4] =	dma.local [hbm:s3], $0xF7A  }
0x26: {  	[smem:$0x3F9E] =	sst s1;
	(tag) =	ssettag s2;
	_ =	strace s9  }
0x27: {  	s1 =	sld [smem:$0x3FAE]  }
0x28: {  	s2 =	sld [smem:$0x3FAF]  }
0x29: {  	s4 =	sld [smem:$0x3FB1]  }
0x2a: {  	p0 =	seq.s32 s5, $0x0;
	s5 =	sld [smem:$0x3FB2]  }
0x2b: {  	s6 =	sld [smem:$0x3FB3]  }
0x2c: {  	s7 =	sld [smem:$0x3FB4]  }
0x2d: {  	s3 =	simm.s32 $0x108;
	s8 =	sld [smem:$0x3FB5]  }
0x2e: {  	s3 =	simm.s32 @!p0 $0x1082;
	s9 =	sld [smem:$0x3FB6]  }
0x2f: {  	lr =	sadd.s32 s0, s3;
	s0 =	sld [smem:$0x3FAD]  }
0x30: {  	s3 =	sld [smem:$0x3FB0]  }
0x31: {  	[smem:$0x3FB9] =	sst s10  }
0x32: {  	s10 =	sld [smem:$0x3FB7];
	_ =	sdelay $0x3  }
0x33: {  	p0 =	seq.s32 s10, $0x1;
	s10 =	sld [smem:$0x3FB9];
	_ =	sdelay $0x3  }
0x34: {  	[smem:$0x3FB9] =	sst s10  }
0x35: {  	s10 =	sld [smem:$0x3FB8];
	_ =	sdelay $0x3  }
0x36: {  	p1 =	seq.s32 s10, $0x1;
	s10 =	sld [smem:$0x3FB9];
	_ =	sdelay $0x3  }
0x37: {  	[smem:$0x3FB9] =	sst s10  }
0x38: {  	s10 =	sld [smem:$0x3FBA]  }
0x39: {  	_ = 	snop;
	(pc) =	sbr.ind lr, $3  }
0x3a: {  	_ = 	snop  }
0x3b: {  	_ = 	snop  }
0x3c: {  	p2 =	seq.s32 s10, $0x1;
	s10 =	sld [smem:$0x3FB9]  }
0x3d: {  	_ =	shalt  }
0x3e: {  	_ =	shalt  }
0x3f: {  	_ =	shalt  }
0x40: {  	_ =	shalt  }
0x41: {  	_ =	shalt  }
0x42: {  	_ =	shalt  }
0x43: {  	_ =	shalt  }
0x44: {  	_ =	shalt  }
0x45: {  	_ =	shalt  }
0x46: {  	_ =	shalt  }
0x47: {  	_ =	shalt  }
0x48: {  	_ =	shalt  }
0x49: {  	_ =	shalt  }
0x4a: {  	_ =	shalt  }
0x4b: {  	_ =	shalt  }
0x4c: {  	_ =	shalt  }
0x4d: {  	_ =	shalt  }
0x4e: {  	_ =	shalt  }
0x4f: {  	_ =	shalt  }
0x50: {  	_ =	shalt  }
0x51: {  	_ =	shalt  }
0x52: {  	_ =	shalt  }
0x53: {  	_ =	shalt  }
0x54: {  	_ =	shalt  }
0x55: {  	_ =	shalt  }
0x56: {  	_ =	shalt  }
0x57: {  	_ =	shalt  }
0x58: {  	_ =	shalt  }
0x59: {  	_ =	shalt  }
0x5a: {  	_ =	shalt  }
0x5b: {  	_ =	shalt  }
0x5c: {  	_ =	shalt  }
0x5d: {  	_ =	shalt  }
0x5e: {  	_ =	shalt  }
0x5f: {  	_ =	shalt  }
0x60: {  	_ =	shalt  }
0x61: {  	_ =	shalt  }
0x62: {  	_ =	shalt  }
0x63: {  	_ =	shalt  }
0x64: {  	_ =	shalt  }
0x65: {  	_ =	shalt  }
0x66: {  	_ =	shalt  }
0x67: {  	_ =	shalt  }
0x68: {  	_ =	shalt  }
0x69: {  	_ =	shalt  }
0x6a: {  	_ =	shalt  }
0x6b: {  	_ =	shalt  }
0x6c: {  	_ =	shalt  }
0x6d: {  	_ =	shalt  }
0x6e: {  	_ =	shalt  }
0x6f: {  	_ =	shalt  }
0x70: {  	_ =	shalt  }
0x71: {  	_ =	shalt  }
0x72: {  	_ =	shalt  }
0x73: {  	_ =	shalt  }
0x74: {  	_ =	shalt  }
0x75: {  	_ =	shalt  }
0x76: {  	_ =	shalt  }
0x77: {  	_ =	shalt  }
0x78: {  	_ =	shalt  }
0x79: {  	_ =	shalt  }
0x7a: {  	_ =	shalt  }
0x7b: {  	_ =	shalt  }
0x7c: {  	_ =	shalt  }
0x7d: {  	_ =	shalt  }
0x7e: {  	_ =	shalt  }
0x7f: {  	_ =	shalt  }
0x80: {  	_ =	shalt  }
0x81: {  	_ =	shalt  }
0x82: {  	_ =	shalt  }
0x83: {  	_ =	shalt  }
0x84: {  	_ =	shalt  }
0x85: {  	_ =	shalt  }
0x86: {  	_ =	shalt  }
0x87: {  	_ =	shalt  }
.Lfunc_end0:
.L_simem_size_0:
called_computation_lowered:
.L_overlay_start_0:
0x88: {  	s2 =	sld [smem:$0x3FD9]  }
0x89: {  	s3 =	sld [smem:$0x3FFE];
	_ =	sdelay $0x1  }
0x8a: {  	s1 =	srdreg.scid  }
0x8b: {  	s0 =	sand.u32 $0x1, s1  }
0x8c: {  	s18 =	sshll.u32 s0, $0xA;
	s2 =	sadd.s32 s3, s2  }
0x8d: {  	s2 =	sadd.s32 s2, s18  }
0x8e: {  	[smem:$0x3FC5] =	sst s2  }
0x8f: {  	_ = 	snop  }
0x90: {  	s2 =	sld [smem:$0x3FC9]  }
0x91: {  	s19 =	sld [smem:$0x3FC8]  }
0x92: {  	s4 =	sld [smem:$0x3FC7]  }
0x93: {  	s5 =	sld [smem:$0x3FD0];
	(tm) =	ssettm $0x1  }
0x94: {  	s6 =	sld [smem:$0x3FFB];
	_ =	sdelay $0x3  }
0x95: {  	_ =	strace s6  }
0x96: {  	s6 =	sld [smem:$0x3FFC];
	_ =	sdelay $0x3  }
0x97: {  	_ =	strace s6  }
0x98: {  	s6 =	sld [smem:$0x3FFD];
	_ =	sdelay $0x3  }
0x99: {  	_ =	strace s6  }
0x9a: {  	_ =	strace $0x8FFFFFFF  }
0x9b: {  	s20 =	sld [smem:$0x3FDB];
	_ =	sdelay $0x1  }
0x9c: {  	s7 =	simm.s32 $_scs_section_size  }
0x9d: {  	s8 =	simm.s32 $_size__tile_overlayer_lowered;
	s9 =	simm.s32 $_tile_overlayer_lowered  }
0x9e: {  	s23 =	simm.s32 $0x1BFF;
	s22 =	sshll.u32 s9, $0x1;
	s6 =	sadd.s32 s7, s20  }
0x9f: {  	s10 =	simm.s32 $0x0;
	s21 =	sshll.u32 s8, $0x1;
	s8 =	sadd.s32 s22, s6  }
0xa0: {  	[timem:s10], [sflag:s23] =	dma.local [hbm:s8], s21  }
0xa1: {  	_ =	swait.ge [sflag:s23], s21  }
0xa2: {  	s7 =	ssub.s32 $0x0, s21;
	[sflag:s23] =	ssyncset.done $0x0  }
0xa3: {  	[sflag:s23] =	ssyncadd.s32 s7;
	_ =	sdelay $0x1  }
0xa4: {  	s24 =	simm.s32 $0x1B8B  }
0xa5: {  	_ =	swait.ge [sflag:s24], $0x1  }
0xa6: {  	[sflag:s24] =	ssyncset.done $0x0  }
0xa7: {  	s25 =	simm.s32 $0x1B8E;
	[sflag:s24] =	ssyncadd.s32 $0xFFFFFFFF  }
0xa8: {  	s26 =	simm.s32 $execute0_lowered;
	[smem:$0x3FD2] =	sst s25  }
0xa9: {  	s7 =	sshll.u32 s26, $0x1;
	_ =	strace $0x80000046;
	[dreg:$0x1] =	wrdreg $0xFFFFFFFF  }
0xaa: {  	s28 =	simm.s32 $_size_execute0_lowered;
	s6 =	sadd.s32 s6, s7;
	[dreg:$0x0] =	wrdreg $0x0  }
0xab: {  	s7 =	sshll.u32 s28, $0x1;
	[dreg:$0x2] =	wrdreg s6  }
0xac: {  	[dreg:$0x3] =	wrdreg s7  }
0xad: {  	[dreg:$0x4] =	wrdreg $0xC0  }
0xae: {  	_ =	task [dreg:s10], $0x5FFFF  }
0xaf: {  	[dreg:$0x1] =	wrdreg $0xFFFFFFFF  }
0xb0: {  	[dreg:$0x0] =	wrdreg $0x60  }
0xb1: {  	[dreg:$0x2] =	wrdreg s2  }
0xb2: {  	[dreg:$0x3] =	wrdreg s19  }
0xb3: {  	[dreg:$0x4] =	wrdreg s4  }
0xb4: {  	[dreg:$0x5] =	wrdreg s5  }
0xb5: {  	[dreg:$0x6] =	wrdreg $0x9  }
0xb6: {  	_ =	task.clear_ibuf [dreg:s10], $0x7FFFF;
	_ =	strace $0x90000046  }
0xb7: {  	s29 =	simm.s32 $0x9;
	_ =	strace $0x80000048  }
0xb8: {  	_ =	swait.ge [sflag:s29], $0x1  }
0xb9: {  	[sflag:s29] =	ssyncadd.s32 $0xFFFFFFFF  }
0xba: {  	_ =	strace $0x90000048  }
0xbb: {  	_ =	sfence  }
0xbc: {  	s30 =	sld [smem:$0x0];
	_ =	sdelay $0x2  }
0xbd: {  	s31 =	sshll.u32 s1, $0xD;
	s1 =	sshrl.u32 s1, $0x2  }
0xbe: {  	s3 =	sand.u32 $0x4000, s31;
	s1 =	sadd.s32 s1, s30  }
0xbf: {  	s0 =	sor.u32 s3, s0;
	s1 =	sshll.u32 s1, $0x11  }
0xc0: {  	s0 =	sor.u32 s1, s0  }
0xc1: {  	s0 =	sadd.s32 $0x8F2B, s0  }
0xc2: {  	[sflag:s0] =	ssyncadd.remote.s32 $0x1  }
0xc3: {  	_ =	sfence.sel $0xFFFF  }
0xc4: {  	[dreg:$0x0] =	wrdreg $0xFFFFFFFF;
	(pc) =	sbr.abs _section_cstart, $3  }
0xc5: {  	[dreg:$0x1] =	wrdreg $0xFFFFFFFF  }
0xc6: {  	_ =	task.clear_ibuf [dreg:s10], $0x2FFFF;
	_ =	strace $0x9FFFFFFF  }
0xc7: {  	(tm) =	ssettm $0x7FFFFFFF  }
tec
execute0_lowered:
.L_overlay_start_1:
0x0: {  	(tag) =	ssettag $0x1  }
0x1: {  	s3 =	rddreg [dreg:$0x0]  }
0x2: {  	s0 =	rddreg [dreg:$0x1]  }
0x3: {  	s10 =	rddreg [dreg:$0x2]  }
0x4: {  	s11 =	rddreg [dreg:$0x3]  }
0x5: {  	s1 =	srdreg.scid;
	s4 =	stileid.u32  }
0x6: {  	s12 =	simm.s32 $0x0;
	s1 =	sand.u32 $0x1, s1;
	s5 =	sshll.u32 s4, $0x1  }
0x7: {  	[smem:$0x7FF] =	sst s12;
	s24 =	sshrl.u32 s4, $0x2;
	s15 =	sadd.s32 $0x100, s10  }
0x8: {  	s13 =	sadd.s32 $0x200, s10;
	s17 =	sadd.s32 $0x300, s10;
	s2 =	ssub.s32 $0x2, s1  }
0x9: {  	s5 =	sand.u32 $0x6, s5;
	_ =	strace $0x80000047;
	[dreg:$0x8] =	wrdreg s15  }
0xa: {  	s9 =	sshll.u32 s24, $0x4;
	s7 =	sshll.u32 s24, $0x16;
	[dreg:$0x9] =	wrdreg s13  }
0xb: {  	[dreg:$0xa] =	wrdreg s17;
	s6 =	sshrl.u32 s2, $0x1;
	s1 =	sor.u32 s1, s5  }
0xc: {  	s0 =	sadd.s32 s0, s9;
	s2 =	ssub.s32 s2, s6;
	s6 =	sshll.u32 s1, $0x8  }
0xd: {  	s8 =	sshll.u32 s1, $0x7;
	s25 =	sshll.u32 s1, $0x13;
	s26 =	sshll.u32 s1, $0x5  }
0xe: {  	s19 =	sshll.u32 s1, $0xF;
	s1 =	sshllo.u32 s1, $0x5;
	s5 =	sor.u32 s7, s25  }
0xf: {  	s0 =	sadd.s32 s8, s0;
	s29 =	sor.u32 $0x1, s26;
	s9 =	sor.u32 $0x2, s26  }
0x10: {  	s25 =	sshll.u32 s1, $0xE;
	s26 =	sadd.s32 $0xFFFFFFF8, s6;
	[dreg:$0x5] =	wrdreg s6  }
0x11: {  	s1 =	sshll.u32 s1, $0xA;
	[dreg:$0x6] =	wrdreg s0;
	s28 =	sshrl.u32 s5, $0x3  }
0x12: {  	s16 =	sshll.u32 s29, $0xE;
	[dreg:$0x13] =	wrdreg s26;
	s1 =	sadd.s32 s10, s1  }
0x13: {  	s5 =	sshll.u32 s29, $0xA;
	s29 =	smax.u32 s2, $0x1;
	[dreg:$0x15] =	wrdreg s1  }
0x14: {  	s20 =	sadd.s32 s10, s5;
	[dreg:$0x17] =	wrdreg s29  }
0x15: {  	s23 =	sshll.u32 s9, $0xA;
	s30 =	sadd.s32 s3, s28;
	[dreg:$0xe] =	wrdreg s20  }
0x16: {  	s0 =	sadd.s32 s10, s23;
	[dreg:$0x7] =	wrdreg s30  }
0x17: {  	s21 =	sadd.s32 s11, s28;
	s28 =	sadd.s32 $0xFFFFFFF0, s6;
	[dreg:$0x11] =	wrdreg s0  }
0x18: {  	s18 =	sshll.u32 s9, $0xE;
	s8 =	sor.u32 s7, s16;
	[dreg:$0x14] =	wrdreg s28  }
0x19: {  	s13 =	sor.u32 s7, s18;
	s22 =	sadd.s32 $0x1800, s30;
	[dreg:$0xf] =	wrdreg s21  }
0x1a: {  	s8 =	sshrl.u32 s8, $0x3;
	s30 =	sadd.s32 $0xF000, s21;
	[dreg:$0x10] =	wrdreg s22  }
0x1b: {  	s13 =	sshrl.u32 s13, $0x3;
	s14 =	sadd.s32 s3, s8;
	[dreg:$0x18] =	wrdreg s30  }
0x1c: {  	s3 =	sadd.s32 s3, s13;
	[dreg:$0xb] =	wrdreg s14  }
0x1d: {  	s0 =	sor.u32 s7, s25;
	s24 =	sadd.s32 s11, s8;
	[dreg:$0xd] =	wrdreg s3  }
0x1e: {  	v0 =	vlaneseq.u32;
	s0 =	sshrl.u32 s0, $0x3;
	s14 =	sadd.s32 s10, s19;
	[dreg:$0x12] =	wrdreg s24  }
0x1f: {  	v1 =	vshrl.u32 v0, $0x3;
	s0 =	sadd.s32 s11, s0;
	[dreg:$0xc] =	wrdreg s14  }
0x20: {  	s31 =	simm.s32 $0x1A100;
	vm0 =	vmmov $0xffff;
	v0 =	vand.u32 $0x7, v0;
	v1 =	vmul.u32 $0x8, v1;
	s2 =	simm.s32 $0x0;
	[dreg:$0x16] =	wrdreg s0  }
.LBB2_1:
0x21: {  	[dreg:$0x19] =	wrdreg s2  }
0x22: {  	s0 =	rddreg [dreg:$0x6]  }
0x23: {  	s1 =	simm.s32 $0x80;
	s3 =	simm.s32 $0x200;
	s4 =	simm.s32 $0xB  }
0x24: {  	[tilespmem:s12], [sflag:$0xB] =	stream.strided.gather [hbm4b:s0+s1], $0x100, s3, s1, $0x38;
	[tilespmem:$0x1C100] =	vst v63  }
0x25: {  	_ =	swait.ge [sflag:s4], $0x100  }
0x26: {  	[sflag:s4] =	ssyncset.done $0x0  }
0x27: {  	s6 =	simm.s32 $0x100;
	s5 =	rddreg [dreg:$0x7];
	[sflag:s4] =	ssyncadd.s32 $0xFFFFFF00  }
0x28: {  	[tilespmem:s6], [sflag:$0x1] =	stream.linear.gather [hbm4b:s5+s12], $0x4000, $0x38;
	[tilespmem:$0x1C100] =	vst v63  }
0x29: {  	v2 =	vld.msk [tilespmem:$0x0], $0xff;
	_ =	sdelay $0x4  }
0x2a: {  	v3 =	vshll.u32 v2, $0x3  }
0x2b: {  	v2 =	vand.u32 $0x7, v2;
	v3 =	vand.u32 $0xFFFFFFC0, v3  }
0x2c: {  	v2 =	vor.u32 v2, v3  }
0x2d: {  	v2 =	vperm.xlane v2, v0;
	_ =	sdelay $0x1  }
0x2e: {  	v2 =	vadd.s32 v1, v2;
	_ =	sdelay $0x3  }
0x2f: {  	s9 =	simm.s32 $0x10100;
	s8 =	rddreg [dreg:$0x2]  }
0x30: {  	[tilespmem:s9], [sflag:$0x1] =	stream.indirect_vreg.gather [hbm4b:s8+s12], $0x80, v2, vm0, $0xb8;
	[tilespmem:$0x1C100] =	vst v63  }
0x31: {  	s11 =	simm.s32 $0x10900;
	s10 =	rddreg [dreg:$0x8]  }
0x32: {  	[tilespmem:s11], [sflag:$0x1] =	stream.indirect_vreg.gather [hbm4b:s10+s12], $0x80, v2, vm0, $0xb8;
	[tilespmem:$0x1C100] =	vst v63  }
0x33: {  	s3 =	simm.s32 $0x11100;
	s13 =	rddreg [dreg:$0x9]  }
0x34: {  	[tilespmem:s3], [sflag:$0x1] =	stream.indirect_vreg.gather [hbm4b:s13+s12], $0x80, v2, vm0, $0xb8;
	[tilespmem:$0x1C100] =	vst v63  }
0x35: {  	s14 =	rddreg [dreg:$0xa];
	s4 =	simm.s32 $0x11900  }
0x36: {  	[tilespmem:s4], [sflag:$0x1] =	stream.indirect_vreg.gather [hbm4b:s14+s12], $0x80, v2, vm0, $0xb8;
	[tilespmem:$0x1C100] =	vst v63  }
0x37: {  	s15 =	rddreg [dreg:$0xb];
	s5 =	simm.s32 $0x4100  }
0x38: {  	[tilespmem:s5], [sflag:$0x2] =	stream.linear.gather [hbm4b:s15+s12], $0x4000, $0x38;
	[tilespmem:$0x1C100] =	vst v63  }
0x39: {  	v2 =	vld.msk [tilespmem:$0x8], $0xff;
	_ =	sdelay $0x4  }
0x3a: {  	v3 =	vshll.u32 v2, $0x3  }
0x3b: {  	v2 =	vand.u32 $0x7, v2;
	v3 =	vand.u32 $0xFFFFFFC0, v3  }
0x3c: {  	v2 =	vor.u32 v2, v3  }
0x3d: {  	v2 =	vperm.xlane v2, v0;
	_ =	sdelay $0x1  }
0x3e: {  	v2 =	vadd.s32 v1, v2;
	_ =	sdelay $0x3  }
0x3f: {  	s16 =	simm.s32 $0x12100  }
0x40: {  	[tilespmem:s16], [sflag:$0x2] =	stream.indirect_vreg.gather [hbm4b:s8+s12], $0x80, v2, vm0, $0xb8;
	[tilespmem:$0x1C100] =	vst v63  }
0x41: {  	s17 =	simm.s32 $0x12900  }
0x42: {  	[tilespmem:s17], [sflag:$0x2] =	stream.indirect_vreg.gather [hbm4b:s10+s12], $0x80, v2, vm0, $0xb8;
	[tilespmem:$0x1C100] =	vst v63  }
0x43: {  	s18 =	simm.s32 $0x13100  }
0x44: {  	[tilespmem:s18], [sflag:$0x2] =	stream.indirect_vreg.gather [hbm4b:s13+s12], $0x80, v2, vm0, $0xb8;
	[tilespmem:$0x1C100] =	vst v63  }
0x45: {  	s19 =	simm.s32 $0x13900  }
0x46: {  	[tilespmem:s19], [sflag:$0x2] =	stream.indirect_vreg.gather [hbm4b:s14+s12], $0x80, v2, vm0, $0xb8;
	[tilespmem:$0x1C100] =	vst v63  }
0x47: {  	s21 =	simm.s32 $0x18100;
	s20 =	rddreg [dreg:$0xc]  }
0x48: {  	[tilespmem:s21], [sflag:$0x5] =	stream.linear.gather [hbm4b:s20+s12], $0x2000, $0x38;
	[tilespmem:$0x1C100] =	vst v63  }
0x49: {  	s23 =	simm.s32 $0x8100;
	s22 =	rddreg [dreg:$0xd]  }
0x4a: {  	[tilespmem:s23], [sflag:$0x3] =	stream.linear.gather [hbm4b:s22+s12], $0x4000, $0x38;
	[tilespmem:$0x1C100] =	vst v63  }
0x4b: {  	v2 =	vld.msk [tilespmem:$0x10], $0xff;
	_ =	sdelay $0x4  }
0x4c: {  	v3 =	vshll.u32 v2, $0x3  }
0x4d: {  	v2 =	vand.u32 $0x7, v2;
	v3 =	vand.u32 $0xFFFFFFC0, v3  }
0x4e: {  	v2 =	vor.u32 v2, v3  }
0x4f: {  	v2 =	vperm.xlane v2, v0;
	_ =	sdelay $0x1  }
0x50: {  	v2 =	vadd.s32 v1, v2;
	_ =	sdelay $0x3  }
0x51: {  	s24 =	simm.s32 $0x14100  }
0x52: {  	[tilespmem:s24], [sflag:$0x3] =	stream.indirect_vreg.gather [hbm4b:s8+s12], $0x80, v2, vm0, $0xb8;
	[tilespmem:$0x1C100] =	vst v63  }
0x53: {  	s25 =	simm.s32 $0x14900  }
0x54: {  	[tilespmem:s25], [sflag:$0x3] =	stream.indirect_vreg.gather [hbm4b:s10+s12], $0x80, v2, vm0, $0xb8;
	[tilespmem:$0x1C100] =	vst v63  }
0x55: {  	s26 =	simm.s32 $0x15100  }
0x56: {  	[tilespmem:s26], [sflag:$0x3] =	stream.indirect_vreg.gather [hbm4b:s13+s12], $0x80, v2, vm0, $0xb8;
	[tilespmem:$0x1C100] =	vst v63  }
0x57: {  	s28 =	simm.s32 $0x15900  }
0x58: {  	[tilespmem:s28], [sflag:$0x3] =	stream.indirect_vreg.gather [hbm4b:s14+s12], $0x80, v2, vm0, $0xb8;
	[tilespmem:$0x1C100] =	vst v63  }
0x59: {  	s30 =	simm.s32 $0x1;
	s29 =	rddreg [dreg:$0xe]  }
0x5a: {  	[tilespmem:s31], [sflag:$0x6] =	stream.linear.gather [hbm4b:s29+s12], $0x2000, $0x38;
	[tilespmem:$0x1C100] =	vst v63  }
0x5b: {  	_ =	swait.ge [sflag:s30], $0x4000  }
0x5c: {  	[sflag:s30] =	ssyncset.done $0x0  }
0x5d: {  	[sflag:s30] =	ssyncadd.s32 $0xFFFFC000  }
0x5e: {  	_ =	swait.ge [sflag:s30], $0x2000  }
0x5f: {  	[sflag:s30] =	ssyncset.done $0x0  }
0x60: {  	s31 =	simm.s32 $0x5;
	[sflag:s30] =	ssyncadd.s32 $0xFFFFE000  }
0x61: {  	_ =	swait.ge [sflag:s31], $0x2000  }
0x62: {  	[sflag:s31] =	ssyncset.done $0x0  }
0x63: {  	s0 =	simm.s32 $0x0;
	[sflag:s31] =	ssyncadd.s32 $0xFFFFE000  }
.LBB2_2:
0x64: {  	s1 =	simm.s32 $0x0;
	s5 =	simm.s32 $0x0  }
0x65: {  	s2 =	sshll.u32 s0, $0x7;
	s8 =	sand.u32 $0x40, s5;
	s1 =	sand.u32 $0x1C00, s1  }
0x66: {  	s3 =	sor.u32 s2, s1;
	s15 =	sor.u32 $0x30, s8  }
0x67: {  	s19 =	sor.u32 $0x10, s8;
	s18 =	sor.u32 s15, s3  }
0x68: {  	s21 =	sor.u32 $0x20, s8;
	s20 =	sor.u32 s19, s3;
	v2 =	vld [tilespmem:s18+$0x18100]  }
0x69: {  	s22 =	sor.u32 s21, s3;
	v3 =	vld [tilespmem:s20+$0x18100]  }
0x6a: {  	s24 =	sadd.s32 s2, s1;
	s25 =	sor.u32 s8, s3;
	v4 =	vld [tilespmem:s22+$0x18100]  }
0x6b: {  	s4 =	sadd.s32 $0x100, s24;
	v5 =	vld [tilespmem:s25+$0x18100]  }
0x6c: {  	s15 =	sadd.s32 s15, s4  }
0x6d: {  	s19 =	sadd.s32 s19, s4;
	[tilespmem:s15+$0x0] =	vst.add.f32.msk $0xffff, v2  }
0x6e: {  	s6 =	simm.s32 $0x430;
	s9 =	simm.s32 $0x410;
	s21 =	sadd.s32 s21, s4;
	[tilespmem:s19+$0x0] =	vst.add.f32.msk $0xffff, v3  }
0x6f: {  	s10 =	simm.s32 $0x2080;
	s11 =	simm.s32 $0x2180;
	s5 =	sadd.s32 s8, s4;
	[tilespmem:s21+$0x0] =	vst.add.f32.msk $0xffff, v4  }
0x70: {  	s23 =	simm.s32 $0x40;
	s14 =	sand.u32 $0x50, s9;
	[tilespmem:s5+$0x0] =	vst.add.f32.msk $0xffff, v5;
	s5 =	simm.s32 $0x200  }
0x71: {  	s24 =	sand.u32 $0x40, s23;
	s15 =	sand.u32 $0x70, s6;
	v3 =	vld [tilespmem:s20+$0x10100];
	s3 =	sand.u32 $0x1C00, s5  }
0x72: {  	s19 =	sand.u32 $0x3C00, s11;
	s11 =	sor.u32 $0x10, s24;
	v2 =	vld [tilespmem:s18+$0x10100];
	s6 =	sor.u32 s2, s3  }
0x73: {  	s30 =	sor.u32 $0x20, s24;
	s18 =	sand.u32 $0x3C00, s10;
	v4 =	vld [tilespmem:s22+$0x10100];
	s29 =	sor.u32 s11, s6  }
0x74: {  	s15 =	sor.u32 s15, s19;
	s18 =	sor.u32 s14, s18;
	s19 =	sor.u32 s30, s6;
	v5 =	vld [tilespmem:s29+$0x18100]  }
0x75: {  	s9 =	sor.u32 $0x30, s24;
	s18 =	sadd.s32 s18, s2;
	v6 =	vld [tilespmem:s19+$0x18100]  }
0x76: {  	s26 =	simm.s32 $0x420;
	s13 =	simm.s32 $0x2100;
	s28 =	sor.u32 s9, s6;
	[tilespmem:s18+$0x100] =	vst.add.f32.msk $0xffff, v3  }
0x77: {  	s17 =	sand.u32 $0x60, s26;
	s10 =	sand.u32 $0x3C00, s13;
	s16 =	sadd.s32 s15, s2;
	v3 =	vld [tilespmem:s28+$0x18100]  }
0x78: {  	s31 =	simm.s32 $0x450;
	s1 =	sor.u32 s8, s1;
	s13 =	sor.u32 s17, s10;
	[tilespmem:s16+$0x100] =	vst.add.f32.msk $0xffff, v2  }
0x79: {  	s20 =	sadd.s32 s2, s1;
	s14 =	sadd.s32 s2, s3;
	s1 =	sadd.s32 s13, s2;
	v2 =	vld [tilespmem:s25+$0x10100]  }
0x7a: {  	s4 =	simm.s32 $0x2280;
	s15 =	sadd.s32 $0x100, s14;
	s18 =	sor.u32 s24, s6;
	[tilespmem:s1+$0x100] =	vst.add.f32.msk $0xffff, v4  }
0x7b: {  	s31 =	sand.u32 $0x50, s31;
	s4 =	sand.u32 $0x3C00, s4;
	s26 =	sadd.s32 s9, s15;
	v7 =	vld [tilespmem:s18+$0x18100]  }
0x7c: {  	s8 =	simm.s32 $0x4;
	s4 =	sor.u32 s31, s4;
	s17 =	simm.s32 $0x460;
	[tilespmem:s26+$0x0] =	vst.add.f32.msk $0xffff, v3  }
0x7d: {  	s22 =	sor.u32 s24, s3;
	s9 =	simm.s32 $0x2300;
	s21 =	sadd.s32 s11, s15;
	v4 =	vld [tilespmem:s28+$0x10100]  }
0x7e: {  	s23 =	sadd.s32 s30, s15;
	s16 =	simm.s32 $0x470;
	[tilespmem:s21+$0x0] =	vst.add.f32.msk $0xffff, v5;
	s28 =	simm.s32 $0x2380  }
0x7f: {  	s15 =	sadd.s32 s24, s15;
	s25 =	sand.u32 $0x70, s16;
	[tilespmem:s23+$0x0] =	vst.add.f32.msk $0xffff, v6;
	s21 =	sand.u32 $0x3C00, s28  }
0x80: {  	s9 =	sand.u32 $0x3C00, s9;
	s1 =	sand.u32 $0x60, s17;
	v3 =	vld [tilespmem:s29+$0x10100];
	s30 =	sor.u32 s25, s21  }
0x81: {  	s24 =	sadd.s32 s4, s2;
	s1 =	sor.u32 s1, s9;
	[tilespmem:s15+$0x0] =	vst.add.f32.msk $0xffff, v7;
	s31 =	sadd.s32 s30, s2  }
0x82: {  	s15 =	simm.s32 $0x4B0;
	s21 =	sadd.s32 s2, s22;
	s22 =	sadd.s32 s1, s2;
	[tilespmem:s31+$0x100] =	vst.add.f32.msk $0xffff, v4  }
.LBB2_3:
0x83: {  	s1 =	sadd.s32 $0xFFFFFBD0, s15;
	s8 =	sadd.s32 $0x4, s8;
	v4 =	vld [tilespmem:s19+$0x10100];
	s5 =	sadd.s32 $0x200, s5  }
0x84: {  	s1 =	sand.u32 $0x40, s1;
	s4 =	sand.u32 $0x1C00, s5;
	p0 =	slt.u32 s8, $0x3C;
	v5 =	vld [tilespmem:s18+$0x10100]  }
0x85: {  	s9 =	sor.u32 s2, s4;
	s25 =	sor.u32 $0x10, s1;
	s26 =	sor.u32 $0x30, s1;
	[tilespmem:s20+$0x2100] =	vst.add.f32.msk $0xffff, v2  }
0x86: {  	s20 =	sor.u32 $0x20, s1;
	s28 =	sor.u32 s25, s9;
	s29 =	sor.u32 s26, s9;
	[tilespmem:s24+$0x100] =	vst.add.f32.msk $0xffff, v3  }
0x87: {  	s18 =	sor.u32 s1, s9;
	s24 =	sadd.s32 $0xFFFFFFE0, s15;
	s19 =	sor.u32 s20, s9;
	v3 =	vld [tilespmem:s29+$0x18100]  }
0x88: {  	s30 =	sadd.s32 $0xFFFFFFF0, s15;
	s31 =	sadd.s32 $0x2100, s5;
	s9 =	sadd.s32 $0x2080, s5;
	v6 =	vld [tilespmem:s28+$0x18100]  }
0x89: {  	s17 =	sadd.s32 s2, s4;
	s24 =	sand.u32 $0x50, s24;
	s9 =	sand.u32 $0x3C00, s9;
	v7 =	vld [tilespmem:s19+$0x18100];
	v2 =	vmov v5  }
0x8a: {  	s30 =	sand.u32 $0x60, s30;
	s31 =	sand.u32 $0x3C00, s31;
	s17 =	sadd.s32 $0x100, s17;
	v5 =	vld [tilespmem:s18+$0x18100]  }
0x8b: {  	s13 =	sadd.s32 s1, s17;
	s25 =	sadd.s32 s25, s17;
	s26 =	sadd.s32 s26, s17;
	[tilespmem:s22+$0x100] =	vst.add.f32.msk $0xffff, v4  }
0x8c: {  	s1 =	sor.u32 s1, s4;
	s4 =	sor.u32 s24, s9;
	s9 =	sadd.s32 s20, s17;
	[tilespmem:s26+$0x0] =	vst.add.f32.msk $0xffff, v3  }
0x8d: {  	s1 =	sadd.s32 s2, s1;
	s24 =	sadd.s32 s4, s2;
	s4 =	sor.u32 s30, s31;
	v4 =	vld [tilespmem:s29+$0x10100]  }
.Ltmp0:
0x8e: {  	s22 =	sadd.s32 s4, s2;
	s4 =	sadd.s32 $0x2180, s5;
	[tilespmem:s25+$0x0] =	vst.add.f32.msk $0xffff, v6;
	(pc) =	sbr.rel @p0 .LBB2_3-.Ltmp0, $4  }
0x8f: {  	s20 =	smov.u32 s21;
	s4 =	sand.u32 $0x3C00, s4;
	[tilespmem:s9+$0x0] =	vst.add.f32.msk $0xffff, v7;
	s9 =	sand.u32 $0x70, s15  }
0x90: {  	s21 =	smov.u32 s1;
	[tilespmem:s13+$0x0] =	vst.add.f32.msk $0xffff, v5;
	s4 =	sor.u32 s9, s4  }
0x91: {  	v3 =	vld [tilespmem:s28+$0x10100];
	s1 =	sadd.s32 s4, s2  }
0x92: {  	s15 =	sadd.s32 $0x40, s15;
	[tilespmem:s1+$0x100] =	vst.add.f32.msk $0xffff, v4  }
0x93: {  	v4 =	vld [tilespmem:s19+$0x10100];
	s0 =	sadd.s32 $0x1, s0  }
0x94: {  	v5 =	vld [tilespmem:s18+$0x10100];
	p0 =	sne.s32 s0, $0x8  }
.Ltmp1:
0x95: {  	_ = 	snop;
	(pc) =	sbr.rel @p0 .LBB2_2-.Ltmp1, $4  }
0x96: {  	[tilespmem:s20+$0x2100] =	vst.add.f32.msk $0xffff, v2  }
0x97: {  	[tilespmem:s24+$0x100] =	vst.add.f32.msk $0xffff, v3  }
0x98: {  	[tilespmem:s22+$0x100] =	vst.add.f32.msk $0xffff, v4  }
0x99: {  	[tilespmem:s21+$0x2100] =	vst.add.f32.msk $0xffff, v5  }
0x9a: {  	s0 =	simm.s32 $0x0;
	s1 =	rddreg [dreg:$0xf];
	s2 =	simm.s32 $0x100  }
0x9b: {  	[hbm4b:s1+s0] =	stream.linear.scatter [tilespmem:s2], [sflag:$0x7], $0x4000, $0x38;
	[tilespmem:$0x1C100] =	vst v63  }
0x9c: {  	s17 =	rddreg [dreg:$0x10];
	s18 =	simm.s32 $0xC100  }
0x9d: {  	[tilespmem:s18], [sflag:$0x4] =	stream.linear.gather [hbm4b:s17+s0], $0x4000, $0x38;
	[tilespmem:$0x1C100] =	vst v63  }
0x9e: {  	v2 =	vld.msk [tilespmem:$0x18], $0xff;
	_ =	sdelay $0x4  }
0x9f: {  	v3 =	vshll.u32 v2, $0x3  }
0xa0: {  	v2 =	vand.u32 $0x7, v2;
	v3 =	vand.u32 $0xFFFFFFC0, v3  }
0xa1: {  	v2 =	vor.u32 v2, v3  }
0xa2: {  	v2 =	vperm.xlane v2, v0;
	_ =	sdelay $0x1  }
0xa3: {  	v2 =	vadd.s32 v1, v2;
	_ =	sdelay $0x3  }
0xa4: {  	s19 =	rddreg [dreg:$0x2];
	s20 =	simm.s32 $0x16100  }
0xa5: {  	[tilespmem:s20], [sflag:$0x4] =	stream.indirect_vreg.gather [hbm4b:s19+s0], $0x80, v2, vm0, $0xb8;
	[tilespmem:$0x1C100] =	vst v63  }
0xa6: {  	s21 =	rddreg [dreg:$0x8];
	s22 =	simm.s32 $0x16900  }
0xa7: {  	[tilespmem:s22], [sflag:$0x4] =	stream.indirect_vreg.gather [hbm4b:s21+s0], $0x80, v2, vm0, $0xb8;
	[tilespmem:$0x1C100] =	vst v63  }
0xa8: {  	s23 =	rddreg [dreg:$0x9];
	s24 =	simm.s32 $0x17100  }
0xa9: {  	[tilespmem:s24], [sflag:$0x4] =	stream.indirect_vreg.gather [hbm4b:s23+s0], $0x80, v2, vm0, $0xb8;
	[tilespmem:$0x1C100] =	vst v63  }
0xaa: {  	s25 =	rddreg [dreg:$0xa];
	s26 =	simm.s32 $0x17900  }
0xab: {  	[tilespmem:s26], [sflag:$0x4] =	stream.indirect_vreg.gather [hbm4b:s25+s0], $0x80, v2, vm0, $0xb8;
	[tilespmem:$0x1C100] =	vst v63  }
0xac: {  	s28 =	rddreg [dreg:$0x11];
	s29 =	simm.s32 $0x18100;
	s30 =	simm.s32 $0x2  }
0xad: {  	[tilespmem:s29], [sflag:$0x5] =	stream.linear.gather [hbm4b:s28+s0], $0x2000, $0x38;
	[tilespmem:$0x1C100] =	vst v63  }
0xae: {  	_ =	swait.ge [sflag:s30], $0x4000  }
0xaf: {  	[sflag:s30] =	ssyncset.done $0x0  }
0xb0: {  	[sflag:s30] =	ssyncadd.s32 $0xFFFFC000  }
0xb1: {  	_ =	swait.ge [sflag:s30], $0x2000  }
0xb2: {  	[sflag:s30] =	ssyncset.done $0x0  }
0xb3: {  	s31 =	simm.s32 $0x6;
	[sflag:s30] =	ssyncadd.s32 $0xFFFFE000  }
0xb4: {  	_ =	swait.ge [sflag:s31], $0x2000  }
0xb5: {  	[sflag:s31] =	ssyncset.done $0x0  }
0xb6: {  	s2 =	simm.s32 $0x0;
	[sflag:s31] =	ssyncadd.s32 $0xFFFFE000  }
.LBB2_6:
0xb7: {  	s1 =	simm.s32 $0x0;
	s5 =	sshll.u32 s2, $0x7;
	s4 =	sand.u32 $0x1C00, s0  }
0xb8: {  	s1 =	sand.u32 $0x40, s1;
	s8 =	sor.u32 s5, s4  }
0xb9: {  	s9 =	sor.u32 $0x30, s1;
	s21 =	sor.u32 s1, s8  }
0xba: {  	s15 =	sor.u32 $0x10, s1;
	s13 =	sor.u32 s9, s8;
	v5 =	vld [tilespmem:s21+$0x1A100]  }
0xbb: {  	s18 =	sor.u32 $0x20, s1;
	s17 =	sor.u32 s15, s8;
	v2 =	vld [tilespmem:s13+$0x1A100]  }
0xbc: {  	s20 =	sadd.s32 s5, s4;
	s19 =	sor.u32 s18, s8;
	v3 =	vld [tilespmem:s17+$0x1A100]  }
0xbd: {  	s10 =	sadd.s32 $0x4100, s20;
	v4 =	vld [tilespmem:s19+$0x1A100]  }
0xbe: {  	s8 =	sadd.s32 s1, s10  }
0xbf: {  	s11 =	simm.s32 $0x430;
	s14 =	simm.s32 $0x410;
	s9 =	sadd.s32 s9, s10;
	[tilespmem:s8+$0x0] =	vst.add.f32.msk $0xffff, v5  }
0xc0: {  	s16 =	simm.s32 $0x2080;
	s23 =	simm.s32 $0x2180;
	s15 =	sadd.s32 s15, s10;
	[tilespmem:s9+$0x0] =	vst.add.f32.msk $0xffff, v2  }
0xc1: {  	s24 =	simm.s32 $0x2100;
	s29 =	simm.s32 $0x40;
	s18 =	sadd.s32 s18, s10;
	[tilespmem:s15+$0x0] =	vst.add.f32.msk $0xffff, v3  }
0xc2: {  	s8 =	simm.s32 $0x200;
	[tilespmem:s18+$0x0] =	vst.add.f32.msk $0xffff, v4;
	s9 =	sand.u32 $0x70, s11;
	s15 =	sand.u32 $0x3C00, s23  }
0xc3: {  	s9 =	sor.u32 s9, s15;
	v3 =	vld [tilespmem:s17+$0x12100];
	s15 =	sand.u32 $0x40, s29;
	s17 =	sand.u32 $0x1C00, s8  }
0xc4: {  	s18 =	sand.u32 $0x3C00, s24;
	v2 =	vld [tilespmem:s13+$0x12100];
	s30 =	sor.u32 s5, s17;
	s24 =	sor.u32 $0x10, s15  }
0xc5: {  	s25 =	sand.u32 $0x50, s14;
	s13 =	sand.u32 $0x3C00, s16;
	v4 =	vld [tilespmem:s19+$0x12100];
	s3 =	sor.u32 s24, s30  }
0xc6: {  	s13 =	sor.u32 s25, s13;
	s19 =	sor.u32 s15, s30;
	v5 =	vld [tilespmem:s3+$0x1A100]  }
0xc7: {  	s31 =	sor.u32 $0x30, s15;
	s13 =	sadd.s32 s13, s5;
	v7 =	vld [tilespmem:s19+$0x1A100]  }
0xc8: {  	s22 =	simm.s32 $0x420;
	s25 =	sor.u32 s31, s30;
	[tilespmem:s13+$0x4100] =	vst.add.f32.msk $0xffff, v3  }
0xc9: {  	s28 =	sand.u32 $0x60, s22;
	s1 =	sor.u32 s1, s4;
	s26 =	sadd.s32 s9, s5;
	v3 =	vld [tilespmem:s25+$0x1A100]  }
0xca: {  	s20 =	sadd.s32 s5, s1;
	s11 =	simm.s32 $0x460;
	s9 =	sor.u32 s28, s18;
	[tilespmem:s26+$0x4100] =	vst.add.f32.msk $0xffff, v2  }
0xcb: {  	s6 =	sor.u32 $0x20, s15;
	s10 =	sadd.s32 s5, s17;
	s1 =	sadd.s32 s9, s5;
	v2 =	vld [tilespmem:s21+$0x12100]  }
0xcc: {  	s23 =	simm.s32 $0x2380;
	s9 =	sadd.s32 $0x4100, s10;
	s21 =	sor.u32 s6, s30;
	[tilespmem:s1+$0x4100] =	vst.add.f32.msk $0xffff, v4  }
0xcd: {  	s29 =	simm.s32 $0x2280;
	s28 =	simm.s32 $0x450;
	s22 =	sadd.s32 s31, s9;
	v6 =	vld [tilespmem:s21+$0x1A100]  }
0xce: {  	s18 =	simm.s32 $0x4;
	s14 =	sand.u32 $0x3C00, s29;
	s28 =	sand.u32 $0x50, s28;
	[tilespmem:s22+$0x0] =	vst.add.f32.msk $0xffff, v3  }
0xcf: {  	s24 =	sadd.s32 s24, s9;
	s26 =	simm.s32 $0x470;
	s30 =	simm.s32 $0x2300;
	v4 =	vld [tilespmem:s25+$0x12100]  }
0xd0: {  	s1 =	sand.u32 $0x60, s11;
	s13 =	sadd.s32 s6, s9;
	s9 =	sadd.s32 s15, s9;
	[tilespmem:s24+$0x0] =	vst.add.f32.msk $0xffff, v5  }
0xd1: {  	s16 =	sand.u32 $0x3C00, s30;
	s26 =	sand.u32 $0x70, s26;
	s24 =	sand.u32 $0x3C00, s23;
	[tilespmem:s9+$0x0] =	vst.add.f32.msk $0xffff, v7  }
0xd2: {  	s29 =	sor.u32 s28, s14;
	s1 =	sor.u32 s1, s16;
	s30 =	sor.u32 s26, s24;
	v3 =	vld [tilespmem:s3+$0x12100]  }
0xd3: {  	s15 =	sor.u32 s15, s17;
	s24 =	sadd.s32 s1, s5;
	s31 =	sadd.s32 s30, s5;
	[tilespmem:s13+$0x0] =	vst.add.f32.msk $0xffff, v6  }
0xd4: {  	s22 =	sadd.s32 s5, s15;
	s15 =	simm.s32 $0x4B0;
	s25 =	sadd.s32 s29, s5;
	[tilespmem:s31+$0x4100] =	vst.add.f32.msk $0xffff, v4  }
.LBB2_7:
0xd5: {  	s1 =	sadd.s32 $0xFFFFFBD0, s15;
	s18 =	sadd.s32 $0x4, s18;
	v4 =	vld [tilespmem:s21+$0x12100];
	s8 =	sadd.s32 $0x200, s8  }
0xd6: {  	s1 =	sand.u32 $0x40, s1;
	s4 =	sand.u32 $0x1C00, s8;
	p0 =	slt.u32 s18, $0x3C;
	v5 =	vld [tilespmem:s19+$0x12100]  }
0xd7: {  	s9 =	sor.u32 s5, s4;
	s13 =	sor.u32 $0x10, s1;
	s17 =	sor.u32 $0x30, s1;
	[tilespmem:s20+$0x6100] =	vst.add.f32.msk $0xffff, v2  }
0xd8: {  	s20 =	sor.u32 $0x20, s1;
	s26 =	sor.u32 s13, s9;
	s28 =	sor.u32 s17, s9;
	[tilespmem:s25+$0x4100] =	vst.add.f32.msk $0xffff, v3  }
0xd9: {  	s19 =	sor.u32 s1, s9;
	s25 =	sadd.s32 $0xFFFFFFE0, s15;
	s21 =	sor.u32 s20, s9;
	v3 =	vld [tilespmem:s28+$0x1A100]  }
0xda: {  	s29 =	sadd.s32 $0xFFFFFFF0, s15;
	s30 =	sadd.s32 $0x2100, s8;
	s9 =	sadd.s32 $0x2080, s8;
	v6 =	vld [tilespmem:s26+$0x1A100]  }
0xdb: {  	s31 =	sadd.s32 s5, s4;
	s25 =	sand.u32 $0x50, s25;
	s9 =	sand.u32 $0x3C00, s9;
	v7 =	vld [tilespmem:s21+$0x1A100];
	v2 =	vmov v5  }
0xdc: {  	s29 =	sand.u32 $0x60, s29;
	s30 =	sand.u32 $0x3C00, s30;
	s31 =	sadd.s32 $0x4100, s31;
	v5 =	vld [tilespmem:s19+$0x1A100]  }
0xdd: {  	s14 =	sadd.s32 s1, s31;
	s13 =	sadd.s32 s13, s31;
	s17 =	sadd.s32 s17, s31;
	[tilespmem:s24+$0x4100] =	vst.add.f32.msk $0xffff, v4  }
0xde: {  	s1 =	sor.u32 s1, s4;
	s4 =	sor.u32 s25, s9;
	s9 =	sadd.s32 s20, s31;
	[tilespmem:s17+$0x0] =	vst.add.f32.msk $0xffff, v3  }
0xdf: {  	s1 =	sadd.s32 s5, s1;
	s25 =	sadd.s32 s4, s5;
	s4 =	sor.u32 s29, s30;
	v4 =	vld [tilespmem:s28+$0x12100]  }
.Ltmp2:
0xe0: {  	s24 =	sadd.s32 s4, s5;
	s4 =	sadd.s32 $0x2180, s8;
	[tilespmem:s13+$0x0] =	vst.add.f32.msk $0xffff, v6;
	(pc) =	sbr.rel @p0 .LBB2_7-.Ltmp2, $4  }
0xe1: {  	s20 =	smov.u32 s22;
	s4 =	sand.u32 $0x3C00, s4;
	[tilespmem:s9+$0x0] =	vst.add.f32.msk $0xffff, v7;
	s9 =	sand.u32 $0x70, s15  }
0xe2: {  	s22 =	smov.u32 s1;
	[tilespmem:s14+$0x0] =	vst.add.f32.msk $0xffff, v5;
	s4 =	sor.u32 s9, s4  }
0xe3: {  	v3 =	vld [tilespmem:s26+$0x12100];
	s1 =	sadd.s32 s4, s5  }
0xe4: {  	s15 =	sadd.s32 $0x40, s15;
	[tilespmem:s1+$0x4100] =	vst.add.f32.msk $0xffff, v4  }
0xe5: {  	v4 =	vld [tilespmem:s21+$0x12100];
	s2 =	sadd.s32 $0x1, s2  }
0xe6: {  	v5 =	vld [tilespmem:s19+$0x12100];
	p0 =	sne.s32 s2, $0x8  }
.Ltmp3:
0xe7: {  	_ = 	snop;
	(pc) =	sbr.rel @p0 .LBB2_6-.Ltmp3, $4  }
0xe8: {  	[tilespmem:s20+$0x6100] =	vst.add.f32.msk $0xffff, v2  }
0xe9: {  	[tilespmem:s25+$0x4100] =	vst.add.f32.msk $0xffff, v3  }
0xea: {  	[tilespmem:s24+$0x4100] =	vst.add.f32.msk $0xffff, v4  }
0xeb: {  	[tilespmem:s22+$0x6100] =	vst.add.f32.msk $0xffff, v5  }
0xec: {  	s0 =	rddreg [dreg:$0x12];
	s1 =	simm.s32 $0x4100  }
0xed: {  	[hbm4b:s0+s12] =	stream.linear.scatter [tilespmem:s1], [sflag:$0x8], $0x4000, $0x38;
	[tilespmem:$0x1C100] =	vst v63  }
0xee: {  	s31 =	simm.s32 $0x1A100;
	s0 =	simm.s32 $0x1  }
.LBB2_10:
0xef: {  	s2 =	sshll.u32 s0, $0x5;
	s1 =	rddreg [dreg:$0x5];
	s3 =	simm.s32 $0x7  }
0xf0: {  	s21 =	sor.u32 s1, s2;
	_ =	swait.ge [sflag:s3], $0x4000  }
0xf1: {  	s1 =	sshll.u32 s21, $0xB;
	[sflag:s3] =	ssyncset.done $0x0  }
0xf2: {  	s1 =	sadd.s32 s7, s1;
	[sflag:s3] =	ssyncadd.s32 $0xFFFFC000  }
0xf3: {  	s28 =	sshrl.u32 s1, $0x3;
	s15 =	rddreg [dreg:$0x0]  }
0xf4: {  	s22 =	simm.s32 $0x0;
	s16 =	simm.s32 $0x100;
	s1 =	sadd.s32 s15, s28  }
0xf5: {  	[tilespmem:s16], [sflag:$0x1] =	stream.linear.gather [hbm4b:s1+s22], $0x4000, $0x38;
	[tilespmem:$0x1C100] =	vst v63  }
0xf6: {  	v2 =	vld.msk [tilespmem:s2+$0x0], $0xff;
	_ =	sdelay $0x4  }
0xf7: {  	v3 =	vshll.u32 v2, $0x3  }
0xf8: {  	v2 =	vand.u32 $0x7, v2;
	v3 =	vand.u32 $0xFFFFFFC0, v3  }
0xf9: {  	v2 =	vor.u32 v2, v3  }
0xfa: {  	v2 =	vperm.xlane v2, v0;
	_ =	sdelay $0x1  }
0xfb: {  	v2 =	vadd.s32 v1, v2;
	_ =	sdelay $0x2  }
0xfc: {  	s19 =	rddreg [dreg:$0x8]  }
0xfd: {  	s18 =	simm.s32 $0x10100;
	s17 =	rddreg [dreg:$0x2]  }
0xfe: {  	[tilespmem:s18], [sflag:$0x1] =	stream.indirect_vreg.gather [hbm4b:s17+s22], $0x80, v2, vm0, $0xb8;
	[tilespmem:$0x1C100] =	vst v63  }
0xff: {  	s4 =	simm.s32 $0x10900;
	s26 =	rddreg [dreg:$0x13]  }
0x100: {  	[tilespmem:s4], [sflag:$0x1] =	stream.indirect_vreg.gather [hbm4b:s19+s22], $0x80, v2, vm0, $0xb8;
	[tilespmem:$0x1C100] =	vst v63  }
0x101: {  	s23 =	simm.s32 $0x11100;
	s20 =	rddreg [dreg:$0x9];
	s5 =	sadd.s32 s2, s26  }
0x102: {  	[tilespmem:s23], [sflag:$0x1] =	stream.indirect_vreg.gather [hbm4b:s20+s22], $0x80, v2, vm0, $0xb8;
	[tilespmem:$0x1C100] =	vst v63  }
0x103: {  	s25 =	simm.s32 $0x11900;
	s24 =	rddreg [dreg:$0xa];
	s1 =	sshll.u32 s5, $0x7  }
0x104: {  	[tilespmem:s25], [sflag:$0x1] =	stream.indirect_vreg.gather [hbm4b:s24+s22], $0x80, v2, vm0, $0xb8;
	[tilespmem:$0x1C100] =	vst v63  }
0x105: {  	s30 =	simm.s32 $0x3;
	s1 =	sadd.s32 s17, s1  }
0x106: {  	[tilespmem:s31], [sflag:$0x6] =	stream.linear.gather [hbm4b:s1+s22], $0x2000, $0x38;
	[tilespmem:$0x1C100] =	vst v63  }
0x107: {  	_ =	swait.ge [sflag:s30], $0x4000  }
0x108: {  	[sflag:s30] =	ssyncset.done $0x0  }
0x109: {  	[sflag:s30] =	ssyncadd.s32 $0xFFFFC000  }
0x10a: {  	_ =	swait.ge [sflag:s30], $0x2000  }
0x10b: {  	[sflag:s30] =	ssyncset.done $0x0  }
0x10c: {  	s31 =	simm.s32 $0x5;
	[sflag:s30] =	ssyncadd.s32 $0xFFFFE000  }
0x10d: {  	_ =	swait.ge [sflag:s31], $0x2000  }
0x10e: {  	[sflag:s31] =	ssyncset.done $0x0  }
0x10f: {  	s29 =	simm.s32 $0x0;
	[sflag:s31] =	ssyncadd.s32 $0xFFFFE000  }
.LBB2_11:
0x110: {  	s1 =	simm.s32 $0x0;
	s31 =	sshll.u32 s29, $0x7;
	s4 =	sand.u32 $0x1C00, s22  }
0x111: {  	s1 =	sand.u32 $0x40, s1;
	s8 =	sor.u32 s31, s4  }
0x112: {  	s9 =	sor.u32 $0x30, s1;
	s20 =	sor.u32 s1, s8  }
0x113: {  	s14 =	sor.u32 $0x10, s1;
	s13 =	sor.u32 s9, s8;
	v5 =	vld [tilespmem:s20+$0x18100]  }
0x114: {  	s17 =	sor.u32 $0x20, s1;
	s15 =	sor.u32 s14, s8;
	v2 =	vld [tilespmem:s13+$0x18100]  }
0x115: {  	s19 =	sadd.s32 s31, s4;
	s18 =	sor.u32 s17, s8;
	v3 =	vld [tilespmem:s15+$0x18100]  }
0x116: {  	s3 =	sadd.s32 $0x8100, s19;
	v4 =	vld [tilespmem:s18+$0x18100]  }
0x117: {  	s8 =	sadd.s32 s1, s3  }
0x118: {  	s6 =	simm.s32 $0x430;
	s9 =	sadd.s32 s9, s3;
	[tilespmem:s8+$0x0] =	vst.add.f32.msk $0xffff, v5  }
0x119: {  	s10 =	simm.s32 $0x410;
	s11 =	simm.s32 $0x2080;
	s14 =	sadd.s32 s14, s3;
	[tilespmem:s9+$0x0] =	vst.add.f32.msk $0xffff, v2  }
0x11a: {  	s12 =	simm.s32 $0x2180;
	s26 =	simm.s32 $0x40;
	s17 =	sadd.s32 s17, s3;
	[tilespmem:s14+$0x0] =	vst.add.f32.msk $0xffff, v3  }
0x11b: {  	s8 =	simm.s32 $0x200;
	[tilespmem:s17+$0x0] =	vst.add.f32.msk $0xffff, v4;
	s9 =	sand.u32 $0x70, s6;
	s14 =	sand.u32 $0x3C00, s12  }
0x11c: {  	s9 =	sor.u32 s9, s14;
	v3 =	vld [tilespmem:s15+$0x14100];
	s14 =	sand.u32 $0x40, s26;
	s15 =	sand.u32 $0x1C00, s8  }
0x11d: {  	s19 =	sand.u32 $0x50, s10;
	v2 =	vld [tilespmem:s13+$0x14100];
	s3 =	sor.u32 s31, s15;
	s25 =	sor.u32 $0x10, s14  }
0x11e: {  	s1 =	sor.u32 s1, s4;
	s13 =	sand.u32 $0x3C00, s11;
	v4 =	vld [tilespmem:s18+$0x14100];
	s4 =	sor.u32 s25, s3  }
0x11f: {  	s13 =	sor.u32 s19, s13;
	s19 =	sor.u32 s14, s3;
	v5 =	vld [tilespmem:s4+$0x18100]  }
0x120: {  	s6 =	sor.u32 $0x30, s14;
	s13 =	sadd.s32 s13, s31;
	v7 =	vld [tilespmem:s19+$0x18100]  }
0x121: {  	s24 =	simm.s32 $0x420;
	s16 =	simm.s32 $0x2100;
	s30 =	sor.u32 s6, s3;
	[tilespmem:s13+$0x8100] =	vst.add.f32.msk $0xffff, v3  }
0x122: {  	s24 =	sand.u32 $0x60, s24;
	s17 =	sand.u32 $0x3C00, s16;
	s23 =	sadd.s32 s9, s31;
	v3 =	vld [tilespmem:s30+$0x18100]  }
0x123: {  	s16 =	simm.s32 $0x450;
	s9 =	sor.u32 s24, s17;
	s10 =	sadd.s32 s31, s15;
	[tilespmem:s23+$0x8100] =	vst.add.f32.msk $0xffff, v2  }
0x124: {  	v2 =	vld [tilespmem:s20+$0x14100];
	s13 =	sor.u32 $0x20, s14;
	s20 =	sadd.s32 s31, s1;
	s1 =	sadd.s32 s9, s31  }
0x125: {  	s12 =	simm.s32 $0x460;
	s9 =	sadd.s32 $0x8100, s10;
	s26 =	sor.u32 s13, s3;
	[tilespmem:s1+$0x8100] =	vst.add.f32.msk $0xffff, v4  }
0x126: {  	s11 =	simm.s32 $0x470;
	s18 =	simm.s32 $0x4;
	s24 =	sadd.s32 s6, s9;
	v6 =	vld [tilespmem:s26+$0x18100]  }
0x127: {  	s16 =	sand.u32 $0x50, s16;
	s11 =	sand.u32 $0x70, s11;
	s23 =	simm.s32 $0x2280;
	[tilespmem:s24+$0x0] =	vst.add.f32.msk $0xffff, v3  }
0x128: {  	s10 =	simm.s32 $0x2380;
	s6 =	simm.s32 $0x2300;
	s3 =	sadd.s32 s25, s9;
	v4 =	vld [tilespmem:s30+$0x14100]  }
0x129: {  	s23 =	sand.u32 $0x3C00, s23;
	s13 =	sadd.s32 s13, s9;
	s9 =	sadd.s32 s14, s9;
	[tilespmem:s3+$0x0] =	vst.add.f32.msk $0xffff, v5  }
0x12a: {  	s1 =	sand.u32 $0x60, s12;
	s12 =	sand.u32 $0x3C00, s10;
	s14 =	sor.u32 s14, s15;
	[tilespmem:s9+$0x0] =	vst.add.f32.msk $0xffff, v7  }
0x12b: {  	s15 =	simm.s32 $0x4B0;
	s6 =	sand.u32 $0x3C00, s6;
	s17 =	sor.u32 s11, s12;
	v3 =	vld [tilespmem:s4+$0x14100]  }
0x12c: {  	s16 =	sor.u32 s16, s23;
	s1 =	sor.u32 s1, s6;
	s23 =	sadd.s32 s17, s31;
	[tilespmem:s13+$0x0] =	vst.add.f32.msk $0xffff, v6  }
0x12d: {  	s25 =	sadd.s32 s16, s31;
	s24 =	sadd.s32 s1, s31;
	s30 =	sadd.s32 s31, s14;
	[tilespmem:s23+$0x8100] =	vst.add.f32.msk $0xffff, v4  }
.LBB2_12:
0x12e: {  	s1 =	sadd.s32 $0xFFFFFBD0, s15;
	s18 =	sadd.s32 $0x4, s18;
	v4 =	vld [tilespmem:s26+$0x14100];
	s8 =	sadd.s32 $0x200, s8  }
0x12f: {  	s1 =	sand.u32 $0x40, s1;
	s4 =	sand.u32 $0x1C00, s8;
	p0 =	slt.u32 s18, $0x3C;
	v5 =	vld [tilespmem:s19+$0x14100]  }
0x130: {  	s6 =	sor.u32 s31, s4;
	s9 =	sor.u32 $0x10, s1;
	s13 =	sor.u32 $0x30, s1;
	[tilespmem:s20+$0xA100] =	vst.add.f32.msk $0xffff, v2  }
0x131: {  	s16 =	sor.u32 $0x20, s1;
	s14 =	sor.u32 s9, s6;
	s17 =	sor.u32 s13, s6;
	[tilespmem:s25+$0x8100] =	vst.add.f32.msk $0xffff, v3  }
0x132: {  	s20 =	sadd.s32 $0xFFFFFFE0, s15;
	s19 =	sor.u32 s1, s6;
	s26 =	sor.u32 s16, s6;
	v3 =	vld [tilespmem:s17+$0x18100]  }
0x133: {  	s23 =	sadd.s32 $0xFFFFFFF0, s15;
	s6 =	sadd.s32 $0x2080, s8;
	s25 =	sadd.s32 $0x2100, s8;
	v6 =	vld [tilespmem:s14+$0x18100]  }
0x134: {  	s3 =	sadd.s32 s31, s4;
	s20 =	sand.u32 $0x50, s20;
	s6 =	sand.u32 $0x3C00, s6;
	v7 =	vld [tilespmem:s26+$0x18100];
	v2 =	vmov v5  }
0x135: {  	s23 =	sand.u32 $0x60, s23;
	s3 =	sadd.s32 $0x8100, s3;
	s10 =	sand.u32 $0x3C00, s25;
	v5 =	vld [tilespmem:s19+$0x18100]  }
0x136: {  	s11 =	sadd.s32 s1, s3;
	s9 =	sadd.s32 s9, s3;
	s13 =	sadd.s32 s13, s3;
	[tilespmem:s24+$0x8100] =	vst.add.f32.msk $0xffff, v4  }
0x137: {  	s1 =	sor.u32 s1, s4;
	s3 =	sadd.s32 s16, s3;
	s4 =	sor.u32 s20, s6;
	[tilespmem:s13+$0x0] =	vst.add.f32.msk $0xffff, v3  }
0x138: {  	s1 =	sadd.s32 s31, s1;
	s25 =	sadd.s32 s4, s31;
	s4 =	sor.u32 s23, s10;
	v4 =	vld [tilespmem:s17+$0x14100]  }
.Ltmp4:
0x139: {  	s24 =	sadd.s32 s4, s31;
	s4 =	sadd.s32 $0x2180, s8;
	[tilespmem:s9+$0x0] =	vst.add.f32.msk $0xffff, v6;
	(pc) =	sbr.rel @p0 .LBB2_12-.Ltmp4, $4  }
0x13a: {  	s20 =	smov.u32 s30;
	s4 =	sand.u32 $0x3C00, s4;
	[tilespmem:s3+$0x0] =	vst.add.f32.msk $0xffff, v7;
	s3 =	sand.u32 $0x70, s15  }
0x13b: {  	s30 =	smov.u32 s1;
	[tilespmem:s11+$0x0] =	vst.add.f32.msk $0xffff, v5;
	s3 =	sor.u32 s3, s4  }
0x13c: {  	v3 =	vld [tilespmem:s14+$0x14100];
	s1 =	sadd.s32 s3, s31  }
0x13d: {  	s15 =	sadd.s32 $0x40, s15;
	[tilespmem:s1+$0x8100] =	vst.add.f32.msk $0xffff, v4  }
0x13e: {  	v4 =	vld [tilespmem:s26+$0x14100];
	s29 =	sadd.s32 $0x1, s29  }
0x13f: {  	v5 =	vld [tilespmem:s19+$0x14100];
	p0 =	sne.s32 s29, $0x8  }
.Ltmp5:
0x140: {  	_ = 	snop;
	(pc) =	sbr.rel @p0 .LBB2_11-.Ltmp5, $4  }
0x141: {  	[tilespmem:s20+$0xA100] =	vst.add.f32.msk $0xffff, v2  }
0x142: {  	[tilespmem:s25+$0x8100] =	vst.add.f32.msk $0xffff, v3  }
0x143: {  	[tilespmem:s24+$0x8100] =	vst.add.f32.msk $0xffff, v4  }
0x144: {  	[tilespmem:s30+$0xA100] =	vst.add.f32.msk $0xffff, v5  }
0x145: {  	s1 =	rddreg [dreg:$0x14]  }
0x146: {  	s1 =	sadd.s32 s2, s1  }
0x147: {  	s1 =	sshll.u32 s1, $0xB  }
0x148: {  	s3 =	rddreg [dreg:$0x3];
	s31 =	simm.s32 $0x0;
	s1 =	sadd.s32 s7, s1  }
0x149: {  	s9 =	simm.s32 $0x8100;
	s10 =	sor.u32 $0x8, s2;
	s1 =	sshrl.u32 s1, $0x3  }
0x14a: {  	s11 =	rddreg [dreg:$0x5];
	s4 =	simm.s32 $0x8;
	s1 =	sadd.s32 s3, s1  }
0x14b: {  	[hbm4b:s1+s31] =	stream.linear.scatter [tilespmem:s9], [sflag:$0x9], $0x4000, $0x38;
	[tilespmem:$0x1C100] =	vst v63  }
0x14c: {  	s22 =	sor.u32 s11, s10;
	_ =	swait.ge [sflag:s4], $0x4000  }
0x14d: {  	s3 =	sshll.u32 s22, $0xB;
	[sflag:s4] =	ssyncset.done $0x0  }
0x14e: {  	s3 =	sadd.s32 s7, s3;
	[sflag:s4] =	ssyncadd.s32 $0xFFFFC000  }
0x14f: {  	s29 =	sshrl.u32 s3, $0x3;
	s12 =	rddreg [dreg:$0x0]  }
0x150: {  	s13 =	simm.s32 $0x4100;
	s3 =	sadd.s32 s12, s29  }
0x151: {  	[tilespmem:s13], [sflag:$0x2] =	stream.linear.gather [hbm4b:s3+s31], $0x4000, $0x38;
	[tilespmem:$0x1C100] =	vst v63  }
0x152: {  	v2 =	vld.msk [tilespmem:s10+$0x0], $0xff;
	_ =	sdelay $0x4  }
0x153: {  	v3 =	vshll.u32 v2, $0x3  }
0x154: {  	v2 =	vand.u32 $0x7, v2;
	v3 =	vand.u32 $0xFFFFFFC0, v3  }
0x155: {  	v2 =	vor.u32 v2, v3  }
0x156: {  	v2 =	vperm.xlane v2, v0;
	_ =	sdelay $0x1  }
0x157: {  	v2 =	vadd.s32 v1, v2;
	_ =	sdelay $0x3  }
0x158: {  	s15 =	simm.s32 $0x12100;
	s14 =	rddreg [dreg:$0x2]  }
0x159: {  	[tilespmem:s15], [sflag:$0x2] =	stream.indirect_vreg.gather [hbm4b:s14+s31], $0x80, v2, vm0, $0xb8;
	[tilespmem:$0x1C100] =	vst v63  }
0x15a: {  	s17 =	simm.s32 $0x12900;
	s16 =	rddreg [dreg:$0x8]  }
0x15b: {  	[tilespmem:s17], [sflag:$0x2] =	stream.indirect_vreg.gather [hbm4b:s16+s31], $0x80, v2, vm0, $0xb8;
	[tilespmem:$0x1C100] =	vst v63  }
0x15c: {  	s19 =	simm.s32 $0x13100;
	s18 =	rddreg [dreg:$0x9]  }
0x15d: {  	[tilespmem:s19], [sflag:$0x2] =	stream.indirect_vreg.gather [hbm4b:s18+s31], $0x80, v2, vm0, $0xb8;
	[tilespmem:$0x1C100] =	vst v63  }
0x15e: {  	s23 =	simm.s32 $0x13900;
	s24 =	sshll.u32 s21, $0x7;
	s20 =	rddreg [dreg:$0xa]  }
0x15f: {  	[tilespmem:s23], [sflag:$0x2] =	stream.indirect_vreg.gather [hbm4b:s20+s31], $0x80, v2, vm0, $0xb8;
	[tilespmem:$0x1C100] =	vst v63  }
0x160: {  	s25 =	simm.s32 $0x18100;
	s26 =	simm.s32 $0x4;
	s1 =	sadd.s32 s14, s24  }
0x161: {  	[tilespmem:s25], [sflag:$0x5] =	stream.linear.gather [hbm4b:s1+s31], $0x2000, $0x38;
	[tilespmem:$0x1C100] =	vst v63  }
0x162: {  	_ =	swait.ge [sflag:s26], $0x4000  }
0x163: {  	[sflag:s26] =	ssyncset.done $0x0  }
0x164: {  	[sflag:s26] =	ssyncadd.s32 $0xFFFFC000  }
0x165: {  	_ =	swait.ge [sflag:s26], $0x2000  }
0x166: {  	[sflag:s26] =	ssyncset.done $0x0  }
0x167: {  	s30 =	simm.s32 $0x6;
	[sflag:s26] =	ssyncadd.s32 $0xFFFFE000  }
0x168: {  	_ =	swait.ge [sflag:s30], $0x2000  }
0x169: {  	[sflag:s30] =	ssyncset.done $0x0  }
0x16a: {  	s21 =	simm.s32 $0x0;
	[sflag:s30] =	ssyncadd.s32 $0xFFFFE000  }
.LBB2_15:
0x16b: {  	s1 =	simm.s32 $0x0  }
0x16c: {  	s8 =	sshll.u32 s21, $0x7;
	s3 =	sand.u32 $0x1C00, s31;
	s1 =	sand.u32 $0x40, s1  }
0x16d: {  	s4 =	sor.u32 s8, s3;
	s6 =	sor.u32 $0x30, s1  }
0x16e: {  	s10 =	sor.u32 $0x10, s1;
	s9 =	sor.u32 s6, s4  }
0x16f: {  	s11 =	sor.u32 s10, s4;
	v2 =	vld [tilespmem:s9+$0x1A100]  }
0x170: {  	s13 =	sor.u32 $0x20, s1;
	v3 =	vld [tilespmem:s11+$0x1A100]  }
0x171: {  	s15 =	sadd.s32 s8, s3;
	s14 =	sor.u32 s13, s4  }
0x172: {  	s15 =	sadd.s32 $0xC100, s15;
	s4 =	sor.u32 s1, s4;
	v4 =	vld [tilespmem:s14+$0x1A100]  }
0x173: {  	s6 =	sadd.s32 s6, s15;
	v5 =	vld [tilespmem:s4+$0x1A100]  }
0x174: {  	s10 =	sadd.s32 s10, s15;
	[tilespmem:s6+$0x0] =	vst.add.f32.msk $0xffff, v2  }
0x175: {  	s19 =	simm.s32 $0x430;
	s16 =	simm.s32 $0x410;
	s20 =	simm.s32 $0x2080;
	[tilespmem:s10+$0x0] =	vst.add.f32.msk $0xffff, v3  }
0x176: {  	s23 =	simm.s32 $0x2180;
	s17 =	simm.s32 $0x420;
	s13 =	sadd.s32 s13, s15;
	v2 =	vld [tilespmem:s9+$0x16100]  }
0x177: {  	s24 =	simm.s32 $0x2100;
	s12 =	simm.s32 $0x40;
	s18 =	simm.s32 $0x200;
	[tilespmem:s13+$0x0] =	vst.add.f32.msk $0xffff, v4  }
0x178: {  	s15 =	sadd.s32 s1, s15;
	s6 =	sand.u32 $0x70, s19;
	s10 =	sand.u32 $0x3C00, s23;
	v3 =	vld [tilespmem:s11+$0x16100]  }
0x179: {  	s25 =	sand.u32 $0x50, s16;
	s26 =	sand.u32 $0x60, s17;
	[tilespmem:s15+$0x0] =	vst.add.f32.msk $0xffff, v5;
	s6 =	sor.u32 s6, s10  }
0x17a: {  	s13 =	sand.u32 $0x3C00, s24;
	s9 =	sand.u32 $0x3C00, s20;
	v4 =	vld [tilespmem:s14+$0x16100];
	s6 =	sadd.s32 s6, s8  }
0x17b: {  	s10 =	sand.u32 $0x1C00, s18;
	s9 =	sor.u32 s25, s9;
	[tilespmem:s6+$0xC100] =	vst.add.f32.msk $0xffff, v2;
	s6 =	sand.u32 $0x40, s12  }
0x17c: {  	s14 =	sor.u32 s8, s10;
	s9 =	sadd.s32 s9, s8;
	v2 =	vld [tilespmem:s4+$0x16100];
	s17 =	sor.u32 $0x30, s6  }
0x17d: {  	s1 =	sor.u32 s1, s3;
	s19 =	sor.u32 s26, s13;
	[tilespmem:s9+$0xC100] =	vst.add.f32.msk $0xffff, v3;
	s16 =	sor.u32 s17, s14  }
0x17e: {  	s24 =	sadd.s32 s8, s1;
	s1 =	sadd.s32 s19, s8;
	v3 =	vld [tilespmem:s16+$0x1A100]  }
0x17f: {  	s23 =	simm.s32 $0x450;
	[tilespmem:s1+$0xC100] =	vst.add.f32.msk $0xffff, v4;
	s15 =	sor.u32 $0x10, s6;
	s26 =	sor.u32 s6, s14  }
0x180: {  	s20 =	sadd.s32 s8, s10;
	s9 =	sor.u32 $0x20, s6;
	s3 =	sor.u32 s15, s14;
	v7 =	vld [tilespmem:s26+$0x1A100]  }
0x181: {  	s11 =	simm.s32 $0x470;
	s4 =	sadd.s32 $0xC100, s20;
	s30 =	sor.u32 s9, s14;
	v5 =	vld [tilespmem:s3+$0x1A100]  }
0x182: {  	s13 =	sand.u32 $0x50, s23;
	s19 =	simm.s32 $0x4;
	s14 =	sadd.s32 s17, s4;
	v6 =	vld [tilespmem:s30+$0x1A100]  }
0x183: {  	s25 =	simm.s32 $0x2280;
	s11 =	sand.u32 $0x70, s11;
	s12 =	simm.s32 $0x460;
	[tilespmem:s14+$0x0] =	vst.add.f32.msk $0xffff, v3  }
0x184: {  	s15 =	sadd.s32 s15, s4;
	s9 =	sadd.s32 s9, s4;
	s4 =	sadd.s32 s6, s4;
	v4 =	vld [tilespmem:s16+$0x16100]  }
0x185: {  	s20 =	simm.s32 $0x2300;
	s17 =	sand.u32 $0x3C00, s25;
	s25 =	simm.s32 $0x2380;
	[tilespmem:s4+$0x0] =	vst.add.f32.msk $0xffff, v7  }
0x186: {  	s1 =	sand.u32 $0x60, s12;
	s23 =	sand.u32 $0x3C00, s20;
	s12 =	sand.u32 $0x3C00, s25;
	[tilespmem:s15+$0x0] =	vst.add.f32.msk $0xffff, v5  }
0x187: {  	s20 =	sor.u32 s1, s23;
	[tilespmem:s9+$0x0] =	vst.add.f32.msk $0xffff, v6;
	s14 =	sor.u32 s13, s17;
	s17 =	sor.u32 s11, s12  }
0x188: {  	s6 =	sor.u32 s6, s10;
	s25 =	sadd.s32 s20, s8;
	v3 =	vld [tilespmem:s3+$0x16100];
	s23 =	sadd.s32 s17, s8  }
0x189: {  	s20 =	simm.s32 $0x4B0;
	s15 =	sadd.s32 s8, s6;
	s1 =	sadd.s32 s14, s8;
	[tilespmem:s23+$0xC100] =	vst.add.f32.msk $0xffff, v4  }
.LBB2_16:
0x18a: {  	s3 =	sadd.s32 $0xFFFFFBD0, s20;
	s19 =	sadd.s32 $0x4, s19;
	v4 =	vld [tilespmem:s30+$0x16100];
	s18 =	sadd.s32 $0x200, s18  }
0x18b: {  	s3 =	sand.u32 $0x40, s3;
	s4 =	sand.u32 $0x1C00, s18;
	p0 =	slt.u32 s19, $0x3C;
	v5 =	vld [tilespmem:s26+$0x16100]  }
0x18c: {  	s6 =	sor.u32 s8, s4;
	s9 =	sor.u32 $0x10, s3;
	s10 =	sor.u32 $0x30, s3;
	[tilespmem:s24+$0xE100] =	vst.add.f32.msk $0xffff, v2  }
0x18d: {  	s13 =	sor.u32 $0x20, s3;
	s11 =	sor.u32 s9, s6;
	s14 =	sor.u32 s10, s6;
	[tilespmem:s1+$0xC100] =	vst.add.f32.msk $0xffff, v3  }
0x18e: {  	s26 =	sor.u32 s3, s6;
	s1 =	sadd.s32 $0xFFFFFFE0, s20;
	s30 =	sor.u32 s13, s6;
	v3 =	vld [tilespmem:s14+$0x1A100]  }
0x18f: {  	s16 =	sadd.s32 $0xFFFFFFF0, s20;
	s17 =	sadd.s32 $0x2100, s18;
	s6 =	sadd.s32 $0x2080, s18;
	v6 =	vld [tilespmem:s11+$0x1A100]  }
0x190: {  	s23 =	sadd.s32 s8, s4;
	s1 =	sand.u32 $0x50, s1;
	s6 =	sand.u32 $0x3C00, s6;
	v7 =	vld [tilespmem:s30+$0x1A100];
	v2 =	vmov v5  }
0x191: {  	s16 =	sand.u32 $0x60, s16;
	s17 =	sand.u32 $0x3C00, s17;
	s23 =	sadd.s32 $0xC100, s23;
	v5 =	vld [tilespmem:s26+$0x1A100]  }
0x192: {  	s12 =	sadd.s32 s3, s23;
	s9 =	sadd.s32 s9, s23;
	s10 =	sadd.s32 s10, s23;
	[tilespmem:s25+$0xC100] =	vst.add.f32.msk $0xffff, v4  }
0x193: {  	s3 =	sor.u32 s3, s4;
	s4 =	sadd.s32 s13, s23;
	s1 =	sor.u32 s1, s6;
	[tilespmem:s10+$0x0] =	vst.add.f32.msk $0xffff, v3  }
0x194: {  	s3 =	sadd.s32 s8, s3;
	s6 =	sor.u32 s16, s17;
	s1 =	sadd.s32 s1, s8;
	v4 =	vld [tilespmem:s14+$0x16100]  }
.Ltmp6:
0x195: {  	s25 =	sadd.s32 s6, s8;
	s6 =	sadd.s32 $0x2180, s18;
	[tilespmem:s9+$0x0] =	vst.add.f32.msk $0xffff, v6;
	(pc) =	sbr.rel @p0 .LBB2_16-.Ltmp6, $4  }
0x196: {  	s24 =	smov.u32 s15;
	s6 =	sand.u32 $0x3C00, s6;
	[tilespmem:s4+$0x0] =	vst.add.f32.msk $0xffff, v7;
	s4 =	sand.u32 $0x70, s20  }
0x197: {  	s15 =	smov.u32 s3;
	[tilespmem:s12+$0x0] =	vst.add.f32.msk $0xffff, v5;
	s4 =	sor.u32 s4, s6  }
0x198: {  	v3 =	vld [tilespmem:s11+$0x16100];
	s3 =	sadd.s32 s4, s8  }
0x199: {  	s20 =	sadd.s32 $0x40, s20;
	[tilespmem:s3+$0xC100] =	vst.add.f32.msk $0xffff, v4  }
0x19a: {  	v4 =	vld [tilespmem:s30+$0x16100];
	s21 =	sadd.s32 $0x1, s21  }
0x19b: {  	v5 =	vld [tilespmem:s26+$0x16100];
	p0 =	sne.s32 s21, $0x8  }
.Ltmp7:
0x19c: {  	_ = 	snop;
	(pc) =	sbr.rel @p0 .LBB2_15-.Ltmp7, $4  }
0x19d: {  	[tilespmem:s24+$0xE100] =	vst.add.f32.msk $0xffff, v2  }
0x19e: {  	[tilespmem:s1+$0xC100] =	vst.add.f32.msk $0xffff, v3  }
0x19f: {  	[tilespmem:s25+$0xC100] =	vst.add.f32.msk $0xffff, v4  }
0x1a0: {  	[tilespmem:s15+$0xE100] =	vst.add.f32.msk $0xffff, v5  }
0x1a1: {  	s1 =	sshll.u32 s5, $0xB  }
0x1a2: {  	s3 =	rddreg [dreg:$0x3];
	s21 =	simm.s32 $0x0;
	s1 =	sadd.s32 s7, s1  }
0x1a3: {  	s11 =	simm.s32 $0xC100;
	s12 =	sor.u32 $0x10, s2;
	s1 =	sshrl.u32 s1, $0x3  }
0x1a4: {  	s13 =	rddreg [dreg:$0x5];
	s4 =	simm.s32 $0x9;
	s1 =	sadd.s32 s3, s1  }
0x1a5: {  	[hbm4b:s1+s21] =	stream.linear.scatter [tilespmem:s11], [sflag:$0xA], $0x4000, $0x38;
	[tilespmem:$0x1C100] =	vst v63  }
0x1a6: {  	s5 =	sor.u32 s13, s12;
	_ =	swait.ge [sflag:s4], $0x4000  }
0x1a7: {  	s3 =	sshll.u32 s5, $0xB;
	[sflag:s4] =	ssyncset.done $0x0  }
0x1a8: {  	s3 =	sadd.s32 s7, s3;
	[sflag:s4] =	ssyncadd.s32 $0xFFFFC000  }
0x1a9: {  	s3 =	sshrl.u32 s3, $0x3;
	s4 =	rddreg [dreg:$0x0]  }
0x1aa: {  	s14 =	simm.s32 $0x8100;
	s3 =	sadd.s32 s4, s3  }
0x1ab: {  	[tilespmem:s14], [sflag:$0x3] =	stream.linear.gather [hbm4b:s3+s21], $0x4000, $0x38;
	[tilespmem:$0x1C100] =	vst v63  }
0x1ac: {  	v2 =	vld.msk [tilespmem:s12+$0x0], $0xff;
	_ =	sdelay $0x4  }
0x1ad: {  	v3 =	vshll.u32 v2, $0x3  }
0x1ae: {  	v2 =	vand.u32 $0x7, v2;
	v3 =	vand.u32 $0xFFFFFFC0, v3  }
0x1af: {  	v2 =	vor.u32 v2, v3  }
0x1b0: {  	v2 =	vperm.xlane v2, v0;
	_ =	sdelay $0x1  }
0x1b1: {  	v2 =	vadd.s32 v1, v2;
	_ =	sdelay $0x3  }
0x1b2: {  	s16 =	simm.s32 $0x14100;
	s15 =	rddreg [dreg:$0x2]  }
0x1b3: {  	[tilespmem:s16], [sflag:$0x3] =	stream.indirect_vreg.gather [hbm4b:s15+s21], $0x80, v2, vm0, $0xb8;
	[tilespmem:$0x1C100] =	vst v63  }
0x1b4: {  	s18 =	simm.s32 $0x14900;
	s17 =	rddreg [dreg:$0x8]  }
0x1b5: {  	[tilespmem:s18], [sflag:$0x3] =	stream.indirect_vreg.gather [hbm4b:s17+s21], $0x80, v2, vm0, $0xb8;
	[tilespmem:$0x1C100] =	vst v63  }
0x1b6: {  	s20 =	simm.s32 $0x15100;
	s19 =	rddreg [dreg:$0x9]  }
0x1b7: {  	[tilespmem:s20], [sflag:$0x3] =	stream.indirect_vreg.gather [hbm4b:s19+s21], $0x80, v2, vm0, $0xb8;
	[tilespmem:$0x1C100] =	vst v63  }
0x1b8: {  	s24 =	simm.s32 $0x15900;
	s25 =	sshll.u32 s22, $0x7;
	s23 =	rddreg [dreg:$0xa]  }
0x1b9: {  	[tilespmem:s24], [sflag:$0x3] =	stream.indirect_vreg.gather [hbm4b:s23+s21], $0x80, v2, vm0, $0xb8;
	[tilespmem:$0x1C100] =	vst v63  }
0x1ba: {  	s31 =	simm.s32 $0x1A100;
	s26 =	simm.s32 $0x1;
	s1 =	sadd.s32 s15, s25  }
0x1bb: {  	[tilespmem:s31], [sflag:$0x6] =	stream.linear.gather [hbm4b:s1+s21], $0x2000, $0x38;
	[tilespmem:$0x1C100] =	vst v63  }
0x1bc: {  	_ =	swait.ge [sflag:s26], $0x4000  }
0x1bd: {  	[sflag:s26] =	ssyncset.done $0x0  }
0x1be: {  	[sflag:s26] =	ssyncadd.s32 $0xFFFFC000  }
0x1bf: {  	_ =	swait.ge [sflag:s26], $0x2000  }
0x1c0: {  	[sflag:s26] =	ssyncset.done $0x0  }
0x1c1: {  	s30 =	simm.s32 $0x5;
	[sflag:s26] =	ssyncadd.s32 $0xFFFFE000  }
0x1c2: {  	_ =	swait.ge [sflag:s30], $0x2000  }
0x1c3: {  	[sflag:s30] =	ssyncset.done $0x0  }
0x1c4: {  	s22 =	simm.s32 $0x0;
	[sflag:s30] =	ssyncadd.s32 $0xFFFFE000  }
.LBB2_19:
0x1c5: {  	s1 =	simm.s32 $0x0  }
0x1c6: {  	s8 =	sshll.u32 s22, $0x7;
	s3 =	sand.u32 $0x1C00, s21;
	s1 =	sand.u32 $0x40, s1  }
0x1c7: {  	s4 =	sor.u32 s8, s3;
	s6 =	sor.u32 $0x30, s1  }
0x1c8: {  	s10 =	sor.u32 $0x10, s1;
	s9 =	sor.u32 s6, s4  }
0x1c9: {  	s11 =	sor.u32 s10, s4;
	v2 =	vld [tilespmem:s9+$0x18100]  }
0x1ca: {  	s12 =	sor.u32 $0x20, s1;
	v3 =	vld [tilespmem:s11+$0x18100]  }
0x1cb: {  	s14 =	sadd.s32 s8, s3;
	s13 =	sor.u32 s12, s4  }
0x1cc: {  	s14 =	sadd.s32 $0x100, s14;
	s4 =	sor.u32 s1, s4;
	v4 =	vld [tilespmem:s13+$0x18100]  }
0x1cd: {  	s6 =	sadd.s32 s6, s14;
	v5 =	vld [tilespmem:s4+$0x18100]  }
0x1ce: {  	s10 =	sadd.s32 s10, s14;
	[tilespmem:s6+$0x0] =	vst.add.f32.msk $0xffff, v2  }
0x1cf: {  	s23 =	simm.s32 $0x430;
	s15 =	simm.s32 $0x410;
	s24 =	simm.s32 $0x2080;
	[tilespmem:s10+$0x0] =	vst.add.f32.msk $0xffff, v3  }
0x1d0: {  	s25 =	simm.s32 $0x2180;
	s16 =	simm.s32 $0x420;
	s12 =	sadd.s32 s12, s14;
	v2 =	vld [tilespmem:s9+$0x10100]  }
0x1d1: {  	s26 =	simm.s32 $0x2100;
	s20 =	simm.s32 $0x40;
	s18 =	simm.s32 $0x200;
	[tilespmem:s12+$0x0] =	vst.add.f32.msk $0xffff, v4  }
0x1d2: {  	s14 =	sadd.s32 s1, s14;
	s6 =	sand.u32 $0x70, s23;
	s10 =	sand.u32 $0x3C00, s25;
	v3 =	vld [tilespmem:s11+$0x10100]  }
0x1d3: {  	s17 =	sand.u32 $0x50, s15;
	s19 =	sand.u32 $0x60, s16;
	[tilespmem:s14+$0x0] =	vst.add.f32.msk $0xffff, v5;
	s6 =	sor.u32 s6, s10  }
0x1d4: {  	s12 =	sand.u32 $0x3C00, s26;
	s9 =	sand.u32 $0x3C00, s24;
	v4 =	vld [tilespmem:s13+$0x10100];
	s6 =	sadd.s32 s6, s8  }
0x1d5: {  	s10 =	sand.u32 $0x1C00, s18;
	s9 =	sor.u32 s17, s9;
	[tilespmem:s6+$0x100] =	vst.add.f32.msk $0xffff, v2;
	s6 =	sand.u32 $0x40, s20  }
0x1d6: {  	s23 =	sor.u32 s8, s10;
	s9 =	sadd.s32 s9, s8;
	v2 =	vld [tilespmem:s4+$0x10100];
	s25 =	sor.u32 $0x30, s6  }
0x1d7: {  	s1 =	sor.u32 s1, s3;
	s16 =	sor.u32 s19, s12;
	[tilespmem:s9+$0x100] =	vst.add.f32.msk $0xffff, v3;
	s15 =	sor.u32 s25, s23  }
0x1d8: {  	s24 =	sadd.s32 s8, s1;
	s1 =	sadd.s32 s16, s8;
	v3 =	vld [tilespmem:s15+$0x18100]  }
0x1d9: {  	s11 =	simm.s32 $0x470;
	[tilespmem:s1+$0x100] =	vst.add.f32.msk $0xffff, v4;
	s14 =	sor.u32 $0x10, s6;
	s26 =	sor.u32 s6, s23  }
0x1da: {  	s17 =	sadd.s32 s8, s10;
	s9 =	sor.u32 $0x20, s6;
	s3 =	sor.u32 s14, s23;
	v7 =	vld [tilespmem:s26+$0x18100]  }
0x1db: {  	s19 =	simm.s32 $0x4;
	s4 =	sadd.s32 $0x100, s17;
	s30 =	sor.u32 s9, s23;
	v5 =	vld [tilespmem:s3+$0x18100]  }
0x1dc: {  	s20 =	simm.s32 $0x450;
	s17 =	simm.s32 $0x2300;
	s13 =	sadd.s32 s25, s4;
	v6 =	vld [tilespmem:s30+$0x18100]  }
0x1dd: {  	s12 =	sand.u32 $0x50, s20;
	s16 =	sand.u32 $0x3C00, s17;
	s25 =	simm.s32 $0x460;
	[tilespmem:s13+$0x0] =	vst.add.f32.msk $0xffff, v3  }
0x1de: {  	s14 =	sadd.s32 s14, s4;
	s9 =	sadd.s32 s9, s4;
	s4 =	sadd.s32 s6, s4;
	v4 =	vld [tilespmem:s15+$0x10100]  }
0x1df: {  	s20 =	simm.s32 $0x2380;
	s23 =	simm.s32 $0x2280;
	s1 =	sand.u32 $0x60, s25;
	[tilespmem:s4+$0x0] =	vst.add.f32.msk $0xffff, v7  }
0x1e0: {  	s25 =	sand.u32 $0x3C00, s20;
	s13 =	sand.u32 $0x3C00, s23;
	[tilespmem:s14+$0x0] =	vst.add.f32.msk $0xffff, v5;
	s23 =	sand.u32 $0x70, s11  }
0x1e1: {  	s6 =	sor.u32 s6, s10;
	s20 =	sor.u32 s1, s16;
	[tilespmem:s9+$0x0] =	vst.add.f32.msk $0xffff, v6;
	s17 =	sor.u32 s23, s25  }
0x1e2: {  	s14 =	sor.u32 s12, s13;
	s15 =	sadd.s32 s8, s6;
	v3 =	vld [tilespmem:s3+$0x10100];
	s23 =	sadd.s32 s17, s8  }
0x1e3: {  	s25 =	sadd.s32 s20, s8;
	s20 =	simm.s32 $0x4B0;
	s1 =	sadd.s32 s14, s8;
	[tilespmem:s23+$0x100] =	vst.add.f32.msk $0xffff, v4  }
.LBB2_20:
0x1e4: {  	s3 =	sadd.s32 $0xFFFFFBD0, s20;
	s19 =	sadd.s32 $0x4, s19;
	v4 =	vld [tilespmem:s30+$0x10100];
	s18 =	sadd.s32 $0x200, s18  }
0x1e5: {  	s3 =	sand.u32 $0x40, s3;
	s4 =	sand.u32 $0x1C00, s18;
	p0 =	slt.u32 s19, $0x3C;
	v5 =	vld [tilespmem:s26+$0x10100]  }
0x1e6: {  	s6 =	sor.u32 s8, s4;
	s9 =	sor.u32 $0x10, s3;
	s10 =	sor.u32 $0x30, s3;
	[tilespmem:s24+$0x2100] =	vst.add.f32.msk $0xffff, v2  }
0x1e7: {  	s12 =	sor.u32 $0x20, s3;
	s11 =	sor.u32 s9, s6;
	s13 =	sor.u32 s10, s6;
	[tilespmem:s1+$0x100] =	vst.add.f32.msk $0xffff, v3  }
0x1e8: {  	s26 =	sor.u32 s3, s6;
	s1 =	sadd.s32 $0xFFFFFFE0, s20;
	s30 =	sor.u32 s12, s6;
	v3 =	vld [tilespmem:s13+$0x18100]  }
0x1e9: {  	s14 =	sadd.s32 $0xFFFFFFF0, s20;
	s16 =	sadd.s32 $0x2100, s18;
	s6 =	sadd.s32 $0x2080, s18;
	v6 =	vld [tilespmem:s11+$0x18100]  }
0x1ea: {  	s17 =	sadd.s32 s8, s4;
	s1 =	sand.u32 $0x50, s1;
	s6 =	sand.u32 $0x3C00, s6;
	v7 =	vld [tilespmem:s30+$0x18100];
	v2 =	vmov v5  }
0x1eb: {  	s14 =	sand.u32 $0x60, s14;
	s16 =	sand.u32 $0x3C00, s16;
	s17 =	sadd.s32 $0x100, s17;
	v5 =	vld [tilespmem:s26+$0x18100]  }
0x1ec: {  	s23 =	sadd.s32 s3, s17;
	s9 =	sadd.s32 s9, s17;
	s10 =	sadd.s32 s10, s17;
	[tilespmem:s25+$0x100] =	vst.add.f32.msk $0xffff, v4  }
0x1ed: {  	s3 =	sor.u32 s3, s4;
	s4 =	sadd.s32 s12, s17;
	s1 =	sor.u32 s1, s6;
	[tilespmem:s10+$0x0] =	vst.add.f32.msk $0xffff, v3  }
0x1ee: {  	s3 =	sadd.s32 s8, s3;
	s6 =	sor.u32 s14, s16;
	s1 =	sadd.s32 s1, s8;
	v4 =	vld [tilespmem:s13+$0x10100]  }
.Ltmp8:
0x1ef: {  	s25 =	sadd.s32 s6, s8;
	s6 =	sadd.s32 $0x2180, s18;
	[tilespmem:s9+$0x0] =	vst.add.f32.msk $0xffff, v6;
	(pc) =	sbr.rel @p0 .LBB2_20-.Ltmp8, $4  }
0x1f0: {  	s24 =	smov.u32 s15;
	s6 =	sand.u32 $0x3C00, s6;
	[tilespmem:s4+$0x0] =	vst.add.f32.msk $0xffff, v7;
	s4 =	sand.u32 $0x70, s20  }
0x1f1: {  	s15 =	smov.u32 s3;
	[tilespmem:s23+$0x0] =	vst.add.f32.msk $0xffff, v5;
	s4 =	sor.u32 s4, s6  }
0x1f2: {  	v3 =	vld [tilespmem:s11+$0x10100];
	s3 =	sadd.s32 s4, s8  }
0x1f3: {  	s20 =	sadd.s32 $0x40, s20;
	[tilespmem:s3+$0x100] =	vst.add.f32.msk $0xffff, v4  }
0x1f4: {  	v4 =	vld [tilespmem:s30+$0x10100];
	s22 =	sadd.s32 $0x1, s22  }
0x1f5: {  	v5 =	vld [tilespmem:s26+$0x10100];
	p0 =	sne.s32 s22, $0x8  }
.Ltmp9:
0x1f6: {  	_ = 	snop;
	(pc) =	sbr.rel @p0 .LBB2_19-.Ltmp9, $4  }
0x1f7: {  	[tilespmem:s24+$0x2100] =	vst.add.f32.msk $0xffff, v2  }
0x1f8: {  	[tilespmem:s1+$0x100] =	vst.add.f32.msk $0xffff, v3  }
0x1f9: {  	[tilespmem:s25+$0x100] =	vst.add.f32.msk $0xffff, v4  }
0x1fa: {  	[tilespmem:s15+$0x2100] =	vst.add.f32.msk $0xffff, v5  }
0x1fb: {  	s1 =	rddreg [dreg:$0x3]  }
0x1fc: {  	s21 =	simm.s32 $0x0;
	s3 =	simm.s32 $0x100;
	s12 =	sor.u32 $0x18, s2  }
0x1fd: {  	s13 =	rddreg [dreg:$0x5];
	s14 =	simm.s32 $0xA;
	s1 =	sadd.s32 s1, s28  }
0x1fe: {  	[hbm4b:s1+s21] =	stream.linear.scatter [tilespmem:s3], [sflag:$0x7], $0x4000, $0x38;
	[tilespmem:$0x1C100] =	vst v63  }
0x1ff: {  	s2 =	sadd.s32 s13, s12;
	_ =	swait.ge [sflag:s14], $0x4000  }
0x200: {  	s2 =	sshll.u32 s2, $0xB;
	[sflag:s14] =	ssyncset.done $0x0  }
0x201: {  	s2 =	sadd.s32 s7, s2;
	[sflag:s14] =	ssyncadd.s32 $0xFFFFC000  }
0x202: {  	s2 =	sshrl.u32 s2, $0x3;
	s3 =	rddreg [dreg:$0x0]  }
0x203: {  	s15 =	simm.s32 $0xC100;
	s2 =	sadd.s32 s3, s2  }
0x204: {  	[tilespmem:s15], [sflag:$0x4] =	stream.linear.gather [hbm4b:s2+s21], $0x4000, $0x38;
	[tilespmem:$0x1C100] =	vst v63  }
0x205: {  	v2 =	vld.msk [tilespmem:s12+$0x0], $0xff;
	_ =	sdelay $0x4  }
0x206: {  	v3 =	vshll.u32 v2, $0x3  }
0x207: {  	v2 =	vand.u32 $0x7, v2;
	v3 =	vand.u32 $0xFFFFFFC0, v3  }
0x208: {  	v2 =	vor.u32 v2, v3  }
0x209: {  	v2 =	vperm.xlane v2, v0;
	_ =	sdelay $0x1  }
0x20a: {  	v2 =	vadd.s32 v1, v2;
	_ =	sdelay $0x3  }
0x20b: {  	s17 =	simm.s32 $0x16100;
	s16 =	rddreg [dreg:$0x2]  }
0x20c: {  	[tilespmem:s17], [sflag:$0x4] =	stream.indirect_vreg.gather [hbm4b:s16+s21], $0x80, v2, vm0, $0xb8;
	[tilespmem:$0x1C100] =	vst v63  }
0x20d: {  	s19 =	simm.s32 $0x16900;
	s18 =	rddreg [dreg:$0x8]  }
0x20e: {  	[tilespmem:s19], [sflag:$0x4] =	stream.indirect_vreg.gather [hbm4b:s18+s21], $0x80, v2, vm0, $0xb8;
	[tilespmem:$0x1C100] =	vst v63  }
0x20f: {  	s22 =	simm.s32 $0x17100;
	s20 =	rddreg [dreg:$0x9]  }
0x210: {  	[tilespmem:s22], [sflag:$0x4] =	stream.indirect_vreg.gather [hbm4b:s20+s21], $0x80, v2, vm0, $0xb8;
	[tilespmem:$0x1C100] =	vst v63  }
0x211: {  	s24 =	simm.s32 $0x17900;
	s25 =	sshll.u32 s5, $0x7;
	s23 =	rddreg [dreg:$0xa]  }
0x212: {  	[tilespmem:s24], [sflag:$0x4] =	stream.indirect_vreg.gather [hbm4b:s23+s21], $0x80, v2, vm0, $0xb8;
	[tilespmem:$0x1C100] =	vst v63  }
0x213: {  	s26 =	simm.s32 $0x18100;
	s28 =	simm.s32 $0x2;
	s1 =	sadd.s32 s16, s25  }
0x214: {  	[tilespmem:s26], [sflag:$0x5] =	stream.linear.gather [hbm4b:s1+s21], $0x2000, $0x38;
	[tilespmem:$0x1C100] =	vst v63  }
0x215: {  	_ =	swait.ge [sflag:s28], $0x4000  }
0x216: {  	[sflag:s28] =	ssyncset.done $0x0  }
0x217: {  	[sflag:s28] =	ssyncadd.s32 $0xFFFFC000  }
0x218: {  	_ =	swait.ge [sflag:s28], $0x2000  }
0x219: {  	[sflag:s28] =	ssyncset.done $0x0  }
0x21a: {  	s30 =	simm.s32 $0x6;
	[sflag:s28] =	ssyncadd.s32 $0xFFFFE000  }
0x21b: {  	_ =	swait.ge [sflag:s30], $0x2000  }
0x21c: {  	[sflag:s30] =	ssyncset.done $0x0  }
0x21d: {  	s2 =	simm.s32 $0x0;
	[sflag:s30] =	ssyncadd.s32 $0xFFFFE000  }
.LBB2_23:
0x21e: {  	s1 =	simm.s32 $0x0  }
0x21f: {  	s5 =	sshll.u32 s2, $0x7;
	s3 =	sand.u32 $0x1C00, s21;
	s1 =	sand.u32 $0x40, s1  }
0x220: {  	s4 =	sor.u32 s5, s3;
	s6 =	sor.u32 $0x30, s1  }
0x221: {  	s9 =	sor.u32 $0x10, s1;
	s8 =	sor.u32 s6, s4  }
0x222: {  	s10 =	sor.u32 s9, s4;
	v2 =	vld [tilespmem:s8+$0x1A100]  }
0x223: {  	s11 =	sor.u32 $0x20, s1;
	v3 =	vld [tilespmem:s10+$0x1A100]  }
0x224: {  	s13 =	sadd.s32 s5, s3;
	s12 =	sor.u32 s11, s4  }
0x225: {  	s13 =	sadd.s32 $0x4100, s13;
	s4 =	sor.u32 s1, s4;
	v4 =	vld [tilespmem:s12+$0x1A100]  }
0x226: {  	s6 =	sadd.s32 s6, s13;
	v5 =	vld [tilespmem:s4+$0x1A100]  }
0x227: {  	s9 =	sadd.s32 s9, s13;
	[tilespmem:s6+$0x0] =	vst.add.f32.msk $0xffff, v2  }
0x228: {  	s20 =	simm.s32 $0x430;
	s14 =	simm.s32 $0x410;
	s22 =	simm.s32 $0x2080;
	[tilespmem:s9+$0x0] =	vst.add.f32.msk $0xffff, v3  }
0x229: {  	s23 =	simm.s32 $0x2180;
	s15 =	simm.s32 $0x420;
	s11 =	sadd.s32 s11, s13;
	v2 =	vld [tilespmem:s8+$0x12100]  }
0x22a: {  	s24 =	simm.s32 $0x2100;
	s30 =	simm.s32 $0x40;
	s25 =	sand.u32 $0x50, s14;
	[tilespmem:s11+$0x0] =	vst.add.f32.msk $0xffff, v4  }
0x22b: {  	s13 =	sadd.s32 s1, s13;
	s6 =	sand.u32 $0x70, s20;
	s9 =	sand.u32 $0x3C00, s23;
	v3 =	vld [tilespmem:s10+$0x12100]  }
0x22c: {  	s26 =	sand.u32 $0x3C00, s22;
	s28 =	sand.u32 $0x60, s15;
	[tilespmem:s13+$0x0] =	vst.add.f32.msk $0xffff, v5;
	s6 =	sor.u32 s6, s9  }
0x22d: {  	s11 =	sand.u32 $0x3C00, s24;
	s8 =	simm.s32 $0x200;
	v4 =	vld [tilespmem:s12+$0x12100];
	s6 =	sadd.s32 s6, s5  }
0x22e: {  	s9 =	sor.u32 s25, s26;
	s10 =	sand.u32 $0x1C00, s8;
	[tilespmem:s6+$0x4100] =	vst.add.f32.msk $0xffff, v2;
	s6 =	sand.u32 $0x40, s30  }
0x22f: {  	s9 =	sadd.s32 s9, s5;
	s12 =	sor.u32 s5, s10;
	v2 =	vld [tilespmem:s4+$0x12100];
	s14 =	sor.u32 $0x30, s6  }
0x230: {  	s1 =	sor.u32 s1, s3;
	s19 =	sor.u32 s28, s11;
	[tilespmem:s9+$0x4100] =	vst.add.f32.msk $0xffff, v3;
	s30 =	sor.u32 s14, s12  }
0x231: {  	s24 =	sadd.s32 s5, s1;
	s1 =	sadd.s32 s19, s5;
	v3 =	vld [tilespmem:s30+$0x1A100]  }
0x232: {  	s18 =	simm.s32 $0x4;
	[tilespmem:s1+$0x4100] =	vst.add.f32.msk $0xffff, v4;
	s15 =	sor.u32 $0x10, s6;
	s19 =	sor.u32 s6, s12  }
0x233: {  	s20 =	sadd.s32 s5, s10;
	s9 =	sor.u32 $0x20, s6;
	s3 =	sor.u32 s15, s12;
	v7 =	vld [tilespmem:s19+$0x1A100]  }
0x234: {  	s16 =	simm.s32 $0x2280;
	s4 =	sadd.s32 $0x4100, s20;
	s22 =	sor.u32 s9, s12;
	v5 =	vld [tilespmem:s3+$0x1A100]  }
0x235: {  	s17 =	simm.s32 $0x2300;
	s23 =	simm.s32 $0x470;
	s12 =	sadd.s32 s14, s4;
	v6 =	vld [tilespmem:s22+$0x1A100]  }
0x236: {  	s25 =	simm.s32 $0x450;
	s26 =	simm.s32 $0x460;
	s28 =	sand.u32 $0x3C00, s16;
	[tilespmem:s12+$0x0] =	vst.add.f32.msk $0xffff, v3  }
0x237: {  	s14 =	sadd.s32 s15, s4;
	s9 =	sadd.s32 s9, s4;
	s4 =	sadd.s32 s6, s4;
	v4 =	vld [tilespmem:s30+$0x12100]  }
0x238: {  	s13 =	sand.u32 $0x50, s25;
	[tilespmem:s4+$0x0] =	vst.add.f32.msk $0xffff, v7;
	s30 =	sand.u32 $0x3C00, s17;
	s17 =	simm.s32 $0x2380  }
0x239: {  	s25 =	sor.u32 s13, s28;
	s20 =	sand.u32 $0x70, s23;
	[tilespmem:s14+$0x0] =	vst.add.f32.msk $0xffff, v5;
	s23 =	sand.u32 $0x3C00, s17  }
0x23a: {  	s1 =	sand.u32 $0x60, s26;
	s6 =	sor.u32 s6, s10;
	[tilespmem:s9+$0x0] =	vst.add.f32.msk $0xffff, v6;
	s26 =	sor.u32 s20, s23  }
0x23b: {  	s15 =	sadd.s32 s5, s6;
	v3 =	vld [tilespmem:s3+$0x12100];
	s28 =	sor.u32 s1, s30;
	s30 =	sadd.s32 s26, s5  }
0x23c: {  	s1 =	sadd.s32 s25, s5;
	s25 =	sadd.s32 s28, s5;
	s20 =	simm.s32 $0x4B0;
	[tilespmem:s30+$0x4100] =	vst.add.f32.msk $0xffff, v4  }
.LBB2_24:
0x23d: {  	s3 =	sadd.s32 $0xFFFFFBD0, s20;
	s18 =	sadd.s32 $0x4, s18;
	v4 =	vld [tilespmem:s22+$0x12100];
	s8 =	sadd.s32 $0x200, s8  }
0x23e: {  	s3 =	sand.u32 $0x40, s3;
	s4 =	sand.u32 $0x1C00, s8;
	p0 =	slt.u32 s18, $0x3C;
	v5 =	vld [tilespmem:s19+$0x12100]  }
0x23f: {  	s6 =	sor.u32 s5, s4;
	s9 =	sor.u32 $0x10, s3;
	s10 =	sor.u32 $0x30, s3;
	[tilespmem:s24+$0x6100] =	vst.add.f32.msk $0xffff, v2  }
0x240: {  	s12 =	sor.u32 $0x20, s3;
	s11 =	sor.u32 s9, s6;
	s13 =	sor.u32 s10, s6;
	[tilespmem:s1+$0x4100] =	vst.add.f32.msk $0xffff, v3  }
0x241: {  	s19 =	sor.u32 s3, s6;
	s1 =	sadd.s32 $0xFFFFFFE0, s20;
	s22 =	sor.u32 s12, s6;
	v3 =	vld [tilespmem:s13+$0x1A100]  }
0x242: {  	s14 =	sadd.s32 $0xFFFFFFF0, s20;
	s16 =	sadd.s32 $0x2100, s8;
	s6 =	sadd.s32 $0x2080, s8;
	v6 =	vld [tilespmem:s11+$0x1A100]  }
0x243: {  	s17 =	sadd.s32 s5, s4;
	s1 =	sand.u32 $0x50, s1;
	s6 =	sand.u32 $0x3C00, s6;
	v7 =	vld [tilespmem:s22+$0x1A100];
	v2 =	vmov v5  }
0x244: {  	s14 =	sand.u32 $0x60, s14;
	s16 =	sand.u32 $0x3C00, s16;
	s17 =	sadd.s32 $0x4100, s17;
	v5 =	vld [tilespmem:s19+$0x1A100]  }
0x245: {  	s23 =	sadd.s32 s3, s17;
	s9 =	sadd.s32 s9, s17;
	s10 =	sadd.s32 s10, s17;
	[tilespmem:s25+$0x4100] =	vst.add.f32.msk $0xffff, v4  }
0x246: {  	s3 =	sor.u32 s3, s4;
	s4 =	sadd.s32 s12, s17;
	s1 =	sor.u32 s1, s6;
	[tilespmem:s10+$0x0] =	vst.add.f32.msk $0xffff, v3  }
0x247: {  	s3 =	sadd.s32 s5, s3;
	s6 =	sor.u32 s14, s16;
	s1 =	sadd.s32 s1, s5;
	v4 =	vld [tilespmem:s13+$0x12100]  }
.Ltmp10:
0x248: {  	s25 =	sadd.s32 s6, s5;
	s6 =	sadd.s32 $0x2180, s8;
	[tilespmem:s9+$0x0] =	vst.add.f32.msk $0xffff, v6;
	(pc) =	sbr.rel @p0 .LBB2_24-.Ltmp10, $4  }
0x249: {  	s24 =	smov.u32 s15;
	s6 =	sand.u32 $0x3C00, s6;
	[tilespmem:s4+$0x0] =	vst.add.f32.msk $0xffff, v7;
	s4 =	sand.u32 $0x70, s20  }
0x24a: {  	s15 =	smov.u32 s3;
	[tilespmem:s23+$0x0] =	vst.add.f32.msk $0xffff, v5;
	s4 =	sor.u32 s4, s6  }
0x24b: {  	v3 =	vld [tilespmem:s11+$0x12100];
	s3 =	sadd.s32 s4, s5  }
0x24c: {  	s20 =	sadd.s32 $0x40, s20;
	[tilespmem:s3+$0x4100] =	vst.add.f32.msk $0xffff, v4  }
0x24d: {  	v4 =	vld [tilespmem:s22+$0x12100];
	s2 =	sadd.s32 $0x1, s2  }
0x24e: {  	v5 =	vld [tilespmem:s19+$0x12100];
	p0 =	sne.s32 s2, $0x8  }
.Ltmp11:
0x24f: {  	_ = 	snop;
	(pc) =	sbr.rel @p0 .LBB2_23-.Ltmp11, $4  }
0x250: {  	[tilespmem:s24+$0x6100] =	vst.add.f32.msk $0xffff, v2  }
0x251: {  	[tilespmem:s1+$0x4100] =	vst.add.f32.msk $0xffff, v3  }
0x252: {  	[tilespmem:s25+$0x4100] =	vst.add.f32.msk $0xffff, v4  }
0x253: {  	[tilespmem:s15+$0x6100] =	vst.add.f32.msk $0xffff, v5  }
0x254: {  	s0 =	sadd.s32 $0x1, s0  }
0x255: {  	p0 =	sne.s32 s0, $0x8  }
.Ltmp12:
0x256: {  	_ = 	snop;
	(pc) =	sbr.rel @p0 .LBB2_10-.Ltmp12, $4  }
0x257: {  	_ = 	snop  }
0x258: {  	s1 =	rddreg [dreg:$0x3]  }
0x259: {  	s2 =	simm.s32 $0x0;
	s3 =	simm.s32 $0x4100;
	s1 =	sadd.s32 s1, s29  }
0x25a: {  	[hbm4b:s1+s2] =	stream.linear.scatter [tilespmem:s3], [sflag:$0x8], $0x4000, $0x38;
	[tilespmem:$0x1C100] =	vst v63  }
0x25b: {  	s0 =	simm.s32 $0x0;
	s1 =	rddreg [dreg:$0x15];
	s29 =	simm.s32 $0x3  }
0x25c: {  	[tilespmem:s31], [sflag:$0x6] =	stream.linear.gather [hbm4b:s1+s0], $0x2000, $0x38;
	[tilespmem:$0x1C100] =	vst v63  }
0x25d: {  	_ =	swait.ge [sflag:s29], $0x4000  }
0x25e: {  	[sflag:s29] =	ssyncset.done $0x0  }
0x25f: {  	[sflag:s29] =	ssyncadd.s32 $0xFFFFC000  }
0x260: {  	_ =	swait.ge [sflag:s29], $0x2000  }
0x261: {  	[sflag:s29] =	ssyncset.done $0x0  }
0x262: {  	s30 =	simm.s32 $0x5;
	[sflag:s29] =	ssyncadd.s32 $0xFFFFE000  }
0x263: {  	_ =	swait.ge [sflag:s30], $0x2000  }
0x264: {  	[sflag:s30] =	ssyncset.done $0x0  }
0x265: {  	s2 =	simm.s32 $0x0;
	[sflag:s30] =	ssyncadd.s32 $0xFFFFE000  }
.LBB2_28:
0x266: {  	s1 =	simm.s32 $0x0  }
0x267: {  	s5 =	sshll.u32 s2, $0x7;
	s3 =	sand.u32 $0x1C00, s0;
	s1 =	sand.u32 $0x40, s1  }
0x268: {  	s4 =	sor.u32 s5, s3;
	s6 =	sor.u32 $0x30, s1  }
0x269: {  	s9 =	sor.u32 $0x10, s1;
	s8 =	sor.u32 s6, s4  }
0x26a: {  	s10 =	sor.u32 s9, s4;
	v2 =	vld [tilespmem:s8+$0x18100]  }
0x26b: {  	s11 =	sor.u32 $0x20, s1;
	v3 =	vld [tilespmem:s10+$0x18100]  }
0x26c: {  	s13 =	sadd.s32 s5, s3;
	s12 =	sor.u32 s11, s4  }
0x26d: {  	s13 =	sadd.s32 $0x8100, s13;
	s4 =	sor.u32 s1, s4;
	v4 =	vld [tilespmem:s12+$0x18100]  }
0x26e: {  	s6 =	sadd.s32 s6, s13;
	v5 =	vld [tilespmem:s4+$0x18100]  }
0x26f: {  	s9 =	sadd.s32 s9, s13;
	[tilespmem:s6+$0x0] =	vst.add.f32.msk $0xffff, v2  }
0x270: {  	s24 =	simm.s32 $0x430;
	s14 =	simm.s32 $0x410;
	s25 =	simm.s32 $0x2080;
	[tilespmem:s9+$0x0] =	vst.add.f32.msk $0xffff, v3  }
0x271: {  	s26 =	simm.s32 $0x2180;
	s15 =	simm.s32 $0x420;
	s11 =	sadd.s32 s11, s13;
	v2 =	vld [tilespmem:s8+$0x14100]  }
0x272: {  	s28 =	simm.s32 $0x2100;
	s29 =	sand.u32 $0x50, s14;
	s30 =	sand.u32 $0x3C00, s25;
	[tilespmem:s11+$0x0] =	vst.add.f32.msk $0xffff, v4  }
0x273: {  	s13 =	sadd.s32 s1, s13;
	s6 =	sand.u32 $0x70, s24;
	s9 =	sand.u32 $0x3C00, s26;
	v3 =	vld [tilespmem:s10+$0x14100]  }
0x274: {  	s14 =	sand.u32 $0x60, s15;
	s15 =	simm.s32 $0x40;
	[tilespmem:s13+$0x0] =	vst.add.f32.msk $0xffff, v5;
	s6 =	sor.u32 s6, s9  }
0x275: {  	s11 =	sand.u32 $0x3C00, s28;
	s8 =	simm.s32 $0x200;
	v4 =	vld [tilespmem:s12+$0x14100];
	s6 =	sadd.s32 s6, s5  }
0x276: {  	s9 =	sor.u32 s29, s30;
	s10 =	sand.u32 $0x1C00, s8;
	[tilespmem:s6+$0x8100] =	vst.add.f32.msk $0xffff, v2;
	s6 =	sand.u32 $0x40, s15  }
0x277: {  	s9 =	sadd.s32 s9, s5;
	s16 =	sor.u32 s5, s10;
	v2 =	vld [tilespmem:s4+$0x14100];
	s17 =	sor.u32 $0x30, s6  }
0x278: {  	s1 =	sor.u32 s1, s3;
	s25 =	sor.u32 s14, s11;
	[tilespmem:s9+$0x8100] =	vst.add.f32.msk $0xffff, v3;
	s23 =	sor.u32 s17, s16  }
0x279: {  	s22 =	sadd.s32 s5, s1;
	s1 =	sadd.s32 s25, s5;
	v3 =	vld [tilespmem:s23+$0x18100]  }
0x27a: {  	s18 =	simm.s32 $0x4;
	[tilespmem:s1+$0x8100] =	vst.add.f32.msk $0xffff, v4;
	s20 =	sor.u32 $0x10, s6;
	s19 =	sor.u32 s6, s16  }
0x27b: {  	s26 =	sadd.s32 s5, s10;
	s24 =	sor.u32 $0x20, s6;
	s3 =	sor.u32 s20, s16;
	v7 =	vld [tilespmem:s19+$0x18100]  }
0x27c: {  	s28 =	simm.s32 $0x470;
	s4 =	sadd.s32 $0x8100, s26;
	s21 =	sor.u32 s24, s16;
	v5 =	vld [tilespmem:s3+$0x18100]  }
0x27d: {  	s29 =	simm.s32 $0x450;
	s30 =	simm.s32 $0x460;
	s12 =	sadd.s32 s17, s4;
	v6 =	vld [tilespmem:s21+$0x18100]  }
0x27e: {  	s13 =	sand.u32 $0x50, s29;
	s1 =	sand.u32 $0x60, s30;
	s16 =	simm.s32 $0x2280;
	[tilespmem:s12+$0x0] =	vst.add.f32.msk $0xffff, v3  }
0x27f: {  	s14 =	sadd.s32 s20, s4;
	s9 =	sadd.s32 s24, s4;
	s4 =	sadd.s32 s6, s4;
	v4 =	vld [tilespmem:s23+$0x14100]  }
0x280: {  	s17 =	simm.s32 $0x2300;
	s24 =	sand.u32 $0x70, s28;
	[tilespmem:s4+$0x0] =	vst.add.f32.msk $0xffff, v7;
	s23 =	simm.s32 $0x2380  }
0x281: {  	s6 =	sor.u32 s6, s10;
	s16 =	sand.u32 $0x3C00, s16;
	[tilespmem:s14+$0x0] =	vst.add.f32.msk $0xffff, v5;
	s25 =	sand.u32 $0x3C00, s23  }
0x282: {  	s20 =	sand.u32 $0x3C00, s17;
	s15 =	sadd.s32 s5, s6;
	[tilespmem:s9+$0x0] =	vst.add.f32.msk $0xffff, v6;
	s28 =	sor.u32 s24, s25  }
0x283: {  	s26 =	sor.u32 s13, s16;
	s29 =	sor.u32 s1, s20;
	v3 =	vld [tilespmem:s3+$0x14100];
	s30 =	sadd.s32 s28, s5  }
0x284: {  	s20 =	simm.s32 $0x4B0;
	s1 =	sadd.s32 s26, s5;
	s24 =	sadd.s32 s29, s5;
	[tilespmem:s30+$0x8100] =	vst.add.f32.msk $0xffff, v4  }
.LBB2_29:
0x285: {  	s3 =	sadd.s32 $0xFFFFFBD0, s20;
	s18 =	sadd.s32 $0x4, s18;
	v4 =	vld [tilespmem:s21+$0x14100];
	s8 =	sadd.s32 $0x200, s8  }
0x286: {  	s3 =	sand.u32 $0x40, s3;
	s4 =	sand.u32 $0x1C00, s8;
	p0 =	slt.u32 s18, $0x3C;
	v5 =	vld [tilespmem:s19+$0x14100]  }
0x287: {  	s6 =	sor.u32 s5, s4;
	s9 =	sor.u32 $0x10, s3;
	s10 =	sor.u32 $0x30, s3;
	[tilespmem:s22+$0xA100] =	vst.add.f32.msk $0xffff, v2  }
0x288: {  	s12 =	sor.u32 $0x20, s3;
	s11 =	sor.u32 s9, s6;
	s13 =	sor.u32 s10, s6;
	[tilespmem:s1+$0x8100] =	vst.add.f32.msk $0xffff, v3  }
0x289: {  	s19 =	sor.u32 s3, s6;
	s1 =	sadd.s32 $0xFFFFFFE0, s20;
	s21 =	sor.u32 s12, s6;
	v3 =	vld [tilespmem:s13+$0x18100]  }
0x28a: {  	s14 =	sadd.s32 $0xFFFFFFF0, s20;
	s16 =	sadd.s32 $0x2100, s8;
	s6 =	sadd.s32 $0x2080, s8;
	v6 =	vld [tilespmem:s11+$0x18100]  }
0x28b: {  	s17 =	sadd.s32 s5, s4;
	s1 =	sand.u32 $0x50, s1;
	s6 =	sand.u32 $0x3C00, s6;
	v7 =	vld [tilespmem:s21+$0x18100];
	v2 =	vmov v5  }
0x28c: {  	s14 =	sand.u32 $0x60, s14;
	s16 =	sand.u32 $0x3C00, s16;
	s17 =	sadd.s32 $0x8100, s17;
	v5 =	vld [tilespmem:s19+$0x18100]  }
0x28d: {  	s23 =	sadd.s32 s3, s17;
	s9 =	sadd.s32 s9, s17;
	s10 =	sadd.s32 s10, s17;
	[tilespmem:s24+$0x8100] =	vst.add.f32.msk $0xffff, v4  }
0x28e: {  	s3 =	sor.u32 s3, s4;
	s4 =	sadd.s32 s12, s17;
	s1 =	sor.u32 s1, s6;
	[tilespmem:s10+$0x0] =	vst.add.f32.msk $0xffff, v3  }
0x28f: {  	s3 =	sadd.s32 s5, s3;
	s6 =	sor.u32 s14, s16;
	s1 =	sadd.s32 s1, s5;
	v4 =	vld [tilespmem:s13+$0x14100]  }
.Ltmp13:
0x290: {  	s24 =	sadd.s32 s6, s5;
	s6 =	sadd.s32 $0x2180, s8;
	[tilespmem:s9+$0x0] =	vst.add.f32.msk $0xffff, v6;
	(pc) =	sbr.rel @p0 .LBB2_29-.Ltmp13, $4  }
0x291: {  	s22 =	smov.u32 s15;
	s6 =	sand.u32 $0x3C00, s6;
	[tilespmem:s4+$0x0] =	vst.add.f32.msk $0xffff, v7;
	s4 =	sand.u32 $0x70, s20  }
0x292: {  	s15 =	smov.u32 s3;
	[tilespmem:s23+$0x0] =	vst.add.f32.msk $0xffff, v5;
	s4 =	sor.u32 s4, s6  }
0x293: {  	v3 =	vld [tilespmem:s11+$0x14100];
	s3 =	sadd.s32 s4, s5  }
0x294: {  	s20 =	sadd.s32 $0x40, s20;
	[tilespmem:s3+$0x8100] =	vst.add.f32.msk $0xffff, v4  }
0x295: {  	v4 =	vld [tilespmem:s21+$0x14100];
	s2 =	sadd.s32 $0x1, s2  }
0x296: {  	v5 =	vld [tilespmem:s19+$0x14100];
	p0 =	sne.s32 s2, $0x8  }
.Ltmp14:
0x297: {  	_ = 	snop;
	(pc) =	sbr.rel @p0 .LBB2_28-.Ltmp14, $4  }
0x298: {  	[tilespmem:s22+$0xA100] =	vst.add.f32.msk $0xffff, v2  }
0x299: {  	[tilespmem:s1+$0x8100] =	vst.add.f32.msk $0xffff, v3  }
0x29a: {  	[tilespmem:s24+$0x8100] =	vst.add.f32.msk $0xffff, v4  }
0x29b: {  	[tilespmem:s15+$0xA100] =	vst.add.f32.msk $0xffff, v5  }
0x29c: {  	s0 =	simm.s32 $0x0  }
0x29d: {  	s1 =	rddreg [dreg:$0x18];
	s2 =	simm.s32 $0x8100;
	s29 =	simm.s32 $0x4  }
0x29e: {  	[hbm4b:s1+s0] =	stream.linear.scatter [tilespmem:s2], [sflag:$0x9], $0x4000, $0x38;
	[tilespmem:$0x1C100] =	vst v63  }
0x29f: {  	_ =	swait.ge [sflag:s29], $0x4000  }
0x2a0: {  	[sflag:s29] =	ssyncset.done $0x0  }
0x2a1: {  	[sflag:s29] =	ssyncadd.s32 $0xFFFFC000  }
0x2a2: {  	_ =	swait.ge [sflag:s29], $0x2000  }
0x2a3: {  	[sflag:s29] =	ssyncset.done $0x0  }
0x2a4: {  	s30 =	simm.s32 $0x6;
	[sflag:s29] =	ssyncadd.s32 $0xFFFFE000  }
0x2a5: {  	_ =	swait.ge [sflag:s30], $0x2000  }
0x2a6: {  	[sflag:s30] =	ssyncset.done $0x0  }
0x2a7: {  	s2 =	simm.s32 $0x0;
	[sflag:s30] =	ssyncadd.s32 $0xFFFFE000  }
.LBB2_32:
0x2a8: {  	s1 =	simm.s32 $0x0  }
0x2a9: {  	s5 =	sshll.u32 s2, $0x7;
	s3 =	sand.u32 $0x1C00, s0;
	s1 =	sand.u32 $0x40, s1  }
0x2aa: {  	s4 =	sor.u32 s5, s3;
	s6 =	sor.u32 $0x30, s1  }
0x2ab: {  	s9 =	sor.u32 $0x10, s1;
	s8 =	sor.u32 s6, s4  }
0x2ac: {  	s10 =	sor.u32 s9, s4;
	v2 =	vld [tilespmem:s8+$0x1A100]  }
0x2ad: {  	s11 =	sor.u32 $0x20, s1;
	v3 =	vld [tilespmem:s10+$0x1A100]  }
0x2ae: {  	s13 =	sadd.s32 s5, s3;
	s12 =	sor.u32 s11, s4  }
0x2af: {  	s13 =	sadd.s32 $0xC100, s13;
	s4 =	sor.u32 s1, s4;
	v4 =	vld [tilespmem:s12+$0x1A100]  }
0x2b0: {  	s6 =	sadd.s32 s6, s13;
	v5 =	vld [tilespmem:s4+$0x1A100]  }
0x2b1: {  	s9 =	sadd.s32 s9, s13;
	[tilespmem:s6+$0x0] =	vst.add.f32.msk $0xffff, v2  }
0x2b2: {  	s24 =	simm.s32 $0x430;
	s14 =	simm.s32 $0x410;
	s25 =	simm.s32 $0x2080;
	[tilespmem:s9+$0x0] =	vst.add.f32.msk $0xffff, v3  }
0x2b3: {  	s26 =	simm.s32 $0x2180;
	s15 =	simm.s32 $0x420;
	s11 =	sadd.s32 s11, s13;
	v2 =	vld [tilespmem:s8+$0x16100]  }
0x2b4: {  	s28 =	simm.s32 $0x2100;
	s29 =	sand.u32 $0x50, s14;
	s30 =	sand.u32 $0x3C00, s25;
	[tilespmem:s11+$0x0] =	vst.add.f32.msk $0xffff, v4  }
0x2b5: {  	s13 =	sadd.s32 s1, s13;
	s6 =	sand.u32 $0x70, s24;
	s9 =	sand.u32 $0x3C00, s26;
	v3 =	vld [tilespmem:s10+$0x16100]  }
0x2b6: {  	s14 =	sand.u32 $0x60, s15;
	s15 =	simm.s32 $0x40;
	[tilespmem:s13+$0x0] =	vst.add.f32.msk $0xffff, v5;
	s6 =	sor.u32 s6, s9  }
0x2b7: {  	s11 =	sand.u32 $0x3C00, s28;
	s8 =	simm.s32 $0x200;
	v4 =	vld [tilespmem:s12+$0x16100];
	s6 =	sadd.s32 s6, s5  }
0x2b8: {  	s9 =	sor.u32 s29, s30;
	s10 =	sand.u32 $0x1C00, s8;
	[tilespmem:s6+$0xC100] =	vst.add.f32.msk $0xffff, v2;
	s6 =	sand.u32 $0x40, s15  }
0x2b9: {  	s9 =	sadd.s32 s9, s5;
	s16 =	sor.u32 s5, s10;
	v2 =	vld [tilespmem:s4+$0x16100];
	s17 =	sor.u32 $0x30, s6  }
0x2ba: {  	s1 =	sor.u32 s1, s3;
	s25 =	sor.u32 s14, s11;
	[tilespmem:s9+$0xC100] =	vst.add.f32.msk $0xffff, v3;
	s23 =	sor.u32 s17, s16  }
0x2bb: {  	s22 =	sadd.s32 s5, s1;
	s1 =	sadd.s32 s25, s5;
	v3 =	vld [tilespmem:s23+$0x1A100]  }
0x2bc: {  	s18 =	simm.s32 $0x4;
	[tilespmem:s1+$0xC100] =	vst.add.f32.msk $0xffff, v4;
	s20 =	sor.u32 $0x10, s6;
	s19 =	sor.u32 s6, s16  }
0x2bd: {  	s26 =	sadd.s32 s5, s10;
	s24 =	sor.u32 $0x20, s6;
	s3 =	sor.u32 s20, s16;
	v7 =	vld [tilespmem:s19+$0x1A100]  }
0x2be: {  	s28 =	simm.s32 $0x470;
	s4 =	sadd.s32 $0xC100, s26;
	s21 =	sor.u32 s24, s16;
	v5 =	vld [tilespmem:s3+$0x1A100]  }
0x2bf: {  	s29 =	simm.s32 $0x450;
	s30 =	simm.s32 $0x460;
	s12 =	sadd.s32 s17, s4;
	v6 =	vld [tilespmem:s21+$0x1A100]  }
0x2c0: {  	s13 =	sand.u32 $0x50, s29;
	s1 =	sand.u32 $0x60, s30;
	s16 =	simm.s32 $0x2280;
	[tilespmem:s12+$0x0] =	vst.add.f32.msk $0xffff, v3  }
0x2c1: {  	s14 =	sadd.s32 s20, s4;
	s9 =	sadd.s32 s24, s4;
	s4 =	sadd.s32 s6, s4;
	v4 =	vld [tilespmem:s23+$0x16100]  }
0x2c2: {  	s17 =	simm.s32 $0x2300;
	s24 =	sand.u32 $0x70, s28;
	[tilespmem:s4+$0x0] =	vst.add.f32.msk $0xffff, v7;
	s23 =	simm.s32 $0x2380  }
0x2c3: {  	s6 =	sor.u32 s6, s10;
	s16 =	sand.u32 $0x3C00, s16;
	[tilespmem:s14+$0x0] =	vst.add.f32.msk $0xffff, v5;
	s25 =	sand.u32 $0x3C00, s23  }
0x2c4: {  	s20 =	sand.u32 $0x3C00, s17;
	s15 =	sadd.s32 s5, s6;
	[tilespmem:s9+$0x0] =	vst.add.f32.msk $0xffff, v6;
	s28 =	sor.u32 s24, s25  }
0x2c5: {  	s26 =	sor.u32 s13, s16;
	s29 =	sor.u32 s1, s20;
	v3 =	vld [tilespmem:s3+$0x16100];
	s30 =	sadd.s32 s28, s5  }
0x2c6: {  	s20 =	simm.s32 $0x4B0;
	s1 =	sadd.s32 s26, s5;
	s24 =	sadd.s32 s29, s5;
	[tilespmem:s30+$0xC100] =	vst.add.f32.msk $0xffff, v4  }
.LBB2_33:
0x2c7: {  	s3 =	sadd.s32 $0xFFFFFBD0, s20;
	s18 =	sadd.s32 $0x4, s18;
	v4 =	vld [tilespmem:s21+$0x16100];
	s8 =	sadd.s32 $0x200, s8  }
0x2c8: {  	s3 =	sand.u32 $0x40, s3;
	s4 =	sand.u32 $0x1C00, s8;
	p0 =	slt.u32 s18, $0x3C;
	v5 =	vld [tilespmem:s19+$0x16100]  }
0x2c9: {  	s6 =	sor.u32 s5, s4;
	s9 =	sor.u32 $0x10, s3;
	s10 =	sor.u32 $0x30, s3;
	[tilespmem:s22+$0xE100] =	vst.add.f32.msk $0xffff, v2  }
0x2ca: {  	s12 =	sor.u32 $0x20, s3;
	s11 =	sor.u32 s9, s6;
	s13 =	sor.u32 s10, s6;
	[tilespmem:s1+$0xC100] =	vst.add.f32.msk $0xffff, v3  }
0x2cb: {  	s19 =	sor.u32 s3, s6;
	s1 =	sadd.s32 $0xFFFFFFE0, s20;
	s21 =	sor.u32 s12, s6;
	v3 =	vld [tilespmem:s13+$0x1A100]  }
0x2cc: {  	s14 =	sadd.s32 $0xFFFFFFF0, s20;
	s16 =	sadd.s32 $0x2100, s8;
	s6 =	sadd.s32 $0x2080, s8;
	v6 =	vld [tilespmem:s11+$0x1A100]  }
0x2cd: {  	s17 =	sadd.s32 s5, s4;
	s1 =	sand.u32 $0x50, s1;
	s6 =	sand.u32 $0x3C00, s6;
	v7 =	vld [tilespmem:s21+$0x1A100];
	v2 =	vmov v5  }
0x2ce: {  	s14 =	sand.u32 $0x60, s14;
	s16 =	sand.u32 $0x3C00, s16;
	s17 =	sadd.s32 $0xC100, s17;
	v5 =	vld [tilespmem:s19+$0x1A100]  }
0x2cf: {  	s23 =	sadd.s32 s3, s17;
	s9 =	sadd.s32 s9, s17;
	s10 =	sadd.s32 s10, s17;
	[tilespmem:s24+$0xC100] =	vst.add.f32.msk $0xffff, v4  }
0x2d0: {  	s3 =	sor.u32 s3, s4;
	s4 =	sadd.s32 s12, s17;
	s1 =	sor.u32 s1, s6;
	[tilespmem:s10+$0x0] =	vst.add.f32.msk $0xffff, v3  }
0x2d1: {  	s3 =	sadd.s32 s5, s3;
	s6 =	sor.u32 s14, s16;
	s1 =	sadd.s32 s1, s5;
	v4 =	vld [tilespmem:s13+$0x16100]  }
.Ltmp15:
0x2d2: {  	s24 =	sadd.s32 s6, s5;
	s6 =	sadd.s32 $0x2180, s8;
	[tilespmem:s9+$0x0] =	vst.add.f32.msk $0xffff, v6;
	(pc) =	sbr.rel @p0 .LBB2_33-.Ltmp15, $4  }
0x2d3: {  	s22 =	smov.u32 s15;
	s6 =	sand.u32 $0x3C00, s6;
	[tilespmem:s4+$0x0] =	vst.add.f32.msk $0xffff, v7;
	s4 =	sand.u32 $0x70, s20  }
0x2d4: {  	s15 =	smov.u32 s3;
	[tilespmem:s23+$0x0] =	vst.add.f32.msk $0xffff, v5;
	s4 =	sor.u32 s4, s6  }
0x2d5: {  	v3 =	vld [tilespmem:s11+$0x16100];
	s3 =	sadd.s32 s4, s5  }
0x2d6: {  	s20 =	sadd.s32 $0x40, s20;
	[tilespmem:s3+$0xC100] =	vst.add.f32.msk $0xffff, v4  }
0x2d7: {  	v4 =	vld [tilespmem:s21+$0x16100];
	s2 =	sadd.s32 $0x1, s2  }
0x2d8: {  	v5 =	vld [tilespmem:s19+$0x16100];
	p0 =	sne.s32 s2, $0x8  }
.Ltmp16:
0x2d9: {  	_ = 	snop;
	(pc) =	sbr.rel @p0 .LBB2_32-.Ltmp16, $4  }
0x2da: {  	[tilespmem:s22+$0xE100] =	vst.add.f32.msk $0xffff, v2  }
0x2db: {  	[tilespmem:s1+$0xC100] =	vst.add.f32.msk $0xffff, v3  }
0x2dc: {  	[tilespmem:s24+$0xC100] =	vst.add.f32.msk $0xffff, v4  }
0x2dd: {  	[tilespmem:s15+$0xE100] =	vst.add.f32.msk $0xffff, v5  }
0x2de: {  	s12 =	simm.s32 $0x0  }
0x2df: {  	s0 =	rddreg [dreg:$0x16];
	s1 =	simm.s32 $0xC100;
	s25 =	simm.s32 $0x7  }
0x2e0: {  	[hbm4b:s0+s12] =	stream.linear.scatter [tilespmem:s1], [sflag:$0xA], $0x4000, $0x38;
	[tilespmem:$0x1C100] =	vst v63  }
0x2e1: {  	_ =	swait.ge [sflag:s25], $0x4000  }
0x2e2: {  	[sflag:s25] =	ssyncset.done $0x0  }
0x2e3: {  	s26 =	simm.s32 $0x8;
	[sflag:s25] =	ssyncadd.s32 $0xFFFFC000  }
0x2e4: {  	_ =	swait.ge [sflag:s26], $0x4000  }
0x2e5: {  	[sflag:s26] =	ssyncset.done $0x0  }
0x2e6: {  	s28 =	simm.s32 $0x9;
	[sflag:s26] =	ssyncadd.s32 $0xFFFFC000  }
0x2e7: {  	_ =	swait.ge [sflag:s28], $0x4000  }
0x2e8: {  	[sflag:s28] =	ssyncset.done $0x0  }
0x2e9: {  	s29 =	simm.s32 $0xA;
	[sflag:s28] =	ssyncadd.s32 $0xFFFFC000  }
0x2ea: {  	_ =	swait.ge [sflag:s29], $0x4000  }
0x2eb: {  	s2 =	rddreg [dreg:$0x19]  }
0x2ec: {  	s30 =	rddreg [dreg:$0x17];
	s2 =	sadd.s32 $0x1, s2  }
0x2ed: {  	p0 =	sne.s32 s2, s30  }
.Ltmp17:
0x2ee: {  	_ = 	snop;
	(pc) =	sbr.rel @p0 .LBB2_1-.Ltmp17, $3  }
0x2ef: {  	_ =	sdelay $0x1  }
0x2f0: {  	[sflag:s29] =	ssyncset.done $0x0  }
0x2f1: {  	[sflag:s29] =	ssyncadd.s32 $0xFFFFC000  }
0x2f2: {  	_ =	sfence.sel $0x180000  }
0x2f3: {  	[bflag:$0x0] =	sbarrier.arrive $0xFFFF  }
0x2f4: {  	_ =	strace $0x90000047  }
0x2f5: {  	s0 =	stileid.u32;
	[bflag:$0x2] =	sbarrier.arrive $0xFFFF  }
0x2f6: {  	p0 =	sne.s32 s0, $0x0;
	s0 =	rddreg [dreg:$0x4]  }
0x2f7: {  	s0 =	sadd.s32 @!p0 $0x100000, s0  }
0x2f8: {  	[sflag:s0] =	ssyncadd.tile.s32 @!p0 $0x1;
	_ =	shalt  }
.Lfunc_end2:
_tile_overlayer_lowered:
.L_overlay_start_2:
0x2f9: {  	(tag) =	ssettag $0x2  }
0x2fa: {  	s0 =	rddreg [dreg:$0x0];
	s2 =	stileid.u32  }
0x2fb: {  	s1 =	rddreg [dreg:$0x1];
	p0 =	sne.s32 s2, $0x0  }
0x2fc: {  	s3 =	rddreg [dreg:$0x2];
	[bflag:$0x3] =	sbarrier.arrive $0xFFFF;
	s2 =	simm.s32 @!p0 $0x1C0B  }
0x2fd: {  	[timem:s3], [sflag:s2] =	dma.local @!p0 [hbm:s0], s1  }
0x2fe: {  	s0 =	simm.s32 @!p0 $0xB  }
0x2ff: {  	_ =	swait.ge @!p0 [sflag:s0], s1  }
0x300: {  	s1 =	ssub.s32 @!p0 $0x0, s1;
	[sflag:s0] =	ssyncset.done @!p0 $0x0  }
0x301: {  	[sflag:s0] =	ssyncadd.s32 @!p0 s1  }
0x302: {  	[bflag:$0x3] =	sbarrier.arrive $0xFFFF  }
0x303: {  	_ =	shalt  }

</sc_bundles>
